<compile_context>
chip_gen: v7x
topology: tpu7x:2x2x1
jax: 0.10.2.dev20260603
libtpu: 0.0.44.dev20260713+nightly
codegen_flags: <defaults>
</compile_context>

<pallas_src>
import functools

import numpy as np
import jax
from jax import lax
import jax.numpy as jnp
from jax.experimental import pallas as pl
from jax.experimental.pallas import tpu as pltpu
from jax.experimental.pallas import tpu_sc as plsc

_THRESH = np.float32(0.7)
_MIN_KEPT = 100000
_FACTOR = 8
_BP = 131072
_NW = 32
_L = 16


@functools.lru_cache(maxsize=None)
def _consts(n, c, h, w):
    out_h = int(round(h / _FACTOR))
    out_w = int(round(w / _FACTOR))
    yi = np.clip(
        np.floor((np.arange(out_h) * (h - 1)).astype(np.float32) / np.float32(out_h - 1)
                 + np.float32(0.5)).astype(np.int32), 0, h - 1)
    xi = np.clip(
        np.floor((np.arange(out_w) * (w - 1)).astype(np.float32) / np.float32(out_w - 1)
                 + np.float32(0.5)).astype(np.int32), 0, w - 1)
    rowids = (np.arange(n)[:, None] * h + yi[None, :]).reshape(-1).astype(np.int32)
    xc = (np.arange(out_w) * (w - 1)).astype(np.float32) / np.float32(out_w - 1)
    x0 = np.clip(np.floor(xc).astype(np.int32), 0, w - 1)
    x1 = np.clip(x0 + 1, 0, w - 1)
    wx = (xc - x0.astype(np.float32)).astype(np.float32)[:c]
    cols = np.concatenate([np.arange(c), x0[:c], x1[:c]])
    sel_m = np.zeros((w, 128), np.float32)
    sel_m[cols, np.arange(3 * c)] = 1.0
    ucols = np.concatenate([np.arange(c), xi[:c], xi[:c]])
    sel_u = np.zeros((w, 128), np.float32)
    sel_u[ucols, np.arange(3 * c)] = 1.0
    fold = np.zeros(((c - 1) * _L, 128), np.float32)
    fold[np.arange((c - 1) * _L), 1 + np.arange((c - 1) * _L) // _L] = 1.0
    min_kept_ds = _MIN_KEPT // (_FACTOR * _FACTOR)
    cmult = np.bincount(xi, minlength=w).astype(np.int32)
    return rowids, cmult, wx, sel_m, sel_u, fold, min_kept_ds


def _sc_hist_body(c, rpw, w, tgt_hbm, rows_hbm, cw_hbm, out_hbm,
                  idx_v, rows_v, cw_v, hist_v, sem):
    wid = lax.axis_index("s") * 2 + lax.axis_index("c")
    base = wid * rpw
    pltpu.sync_copy(rows_hbm.at[pl.ds(base, rpw)], idx_v)
    pltpu.async_copy(tgt_hbm.at[idx_v], rows_v, sem).wait()
    pltpu.sync_copy(cw_hbm, cw_v)
    zero = jnp.zeros((_L,), jnp.int32)
    nch = w // _L
    half = nch // 2
    lsh = half.bit_length() - 1

    def step(i, accs):
        r = lax.shift_right_logical(i, lsh)
        k2 = lax.bitwise_and(i, half - 1)
        out = accs
        for u in range(2):
            off = (k2 + u * half) * _L
            v = rows_v[r, pl.ds(off, _L)]
            wv = cw_v[pl.ds(off, _L)]
            out = tuple(
                out[b - 1] + jnp.where(v == b, wv, zero)
                for b in range(1, c))
        return out

    accs = lax.fori_loop(0, rpw * half, step,
                         tuple(zero for _ in range(c - 1)))
    for b in range(1, c):
        hist_v[pl.ds((b - 1) * _L, _L)] = accs[b - 1]
    pltpu.sync_copy(hist_v, out_hbm.at[wid])


def _main_body(c, pred_ref, tgt_ref, out_ref):
    pred = pred_ref[0]
    t = tgt_ref[0]
    s = jnp.sum(jnp.exp(pred), axis=0)
    lse_sum = jnp.sum(jnp.log(s))
    citer = jax.lax.broadcasted_iota(jnp.int32, pred.shape, 0)
    mask = (t[None] == citer).astype(jnp.float32)
    a_vec = jnp.sum(jnp.sum(pred * mask, axis=2), axis=1, keepdims=True)
    c_vec = jnp.sum(jnp.sum(pred[0:1] * mask, axis=2), axis=1, keepdims=True)
    pad = 64 - 2 * c
    row = jnp.concatenate([
        jnp.broadcast_to(a_vec, (c, 128)),
        jnp.broadcast_to(c_vec, (c, 128)),
        jnp.broadcast_to(lse_sum, (pad, 128)),
    ], axis=0)
    out_ref[0] = row


def _combine_body(c, min_kept_ds, inv_n, part_ref, pred_ref, tgt_ref,
                  selm_ref, selu_ref, wx_ref, hist_ref, fold_ref, out_ref):
    ps = jnp.sum(part_ref[...], axis=0)
    col = ps[:, 0:1]
    a_vec = col[0:c]
    c_vec = col[c:2 * c]
    lse_tot = col[2 * c, 0]
    eye = (jax.lax.broadcasted_iota(jnp.int32, (c, c), 0)
           == jax.lax.broadcasted_iota(jnp.int32, (c, c), 1)).astype(jnp.float32)

    hw = jnp.sum(hist_ref[...].astype(jnp.float32), axis=0, keepdims=True)
    cnt_row128 = jax.lax.dot_general(hw, fold_ref[...], (((1,), (0,)), ((), ())),
                                     precision=jax.lax.Precision.HIGHEST,
                                     preferred_element_type=jnp.float32)
    cnt_row = cnt_row128[:, 0:c]
    cnt = jnp.sum(eye * cnt_row, axis=1, keepdims=True)

    row0 = pred_ref[0, :, 0, :]
    t00 = tgt_ref[0, 0:1, :].astype(jnp.float32)
    nt = (((1,), (0,)), ((), ()))
    g = jax.lax.dot_general(row0, selm_ref[...], nt,
                            preferred_element_type=jnp.float32)
    svec = jax.lax.dot_general(t00, selu_ref[...], nt,
                               preferred_element_type=jnp.float32)
    m = jnp.max(g, axis=0, keepdims=True)
    e = jnp.exp(g - m)
    prob = e / jnp.sum(e, axis=0, keepdims=True)
    ri = jax.lax.broadcasted_iota(jnp.int32, (c, 128), 0)
    sel = (ri == svec.astype(jnp.int32)).astype(jnp.float32)
    picked = jnp.sum(prob * sel, axis=0, keepdims=True)
    q_row = picked[:, 0:c]
    g0 = picked[:, c:2 * c]
    g1 = picked[:, 2 * c:3 * c]
    wx = wx_ref[...]
    p_row = g0 * (1.0 - wx) + g1 * wx
    p_col = jnp.sum(eye * p_row, axis=1, keepdims=True)
    tot = jnp.sum((p_col <= p_row).astype(jnp.float32) * cnt, axis=0,
                  keepdims=True)
    viota = jax.lax.broadcasted_iota(jnp.int32, (1, c), 1)
    cond = (tot >= np.float32(min_kept_ds)) & (viota >= 1) & (cnt_row > 0)
    nt_thr = jnp.min(jnp.where(cond, p_row, np.float32(2.0)))
    thr = jnp.where(nt_thr > _THRESH, nt_thr, _THRESH)
    kept = jnp.sum(eye * q_row, axis=1, keepdims=True) <= thr
    v2 = jax.lax.broadcasted_iota(jnp.int32, (c, 1), 0)
    contrib = jnp.where(v2 >= 1, jnp.where(kept, a_vec, c_vec), np.float32(0.0))
    loss = (lse_tot - jnp.sum(contrib)) * np.float32(inv_n)
    out_ref[...] = jnp.broadcast_to(loss, (1, 1))


def kernel(predict, target):
    n, c, h, w = predict.shape
    tgt = target.astype(jnp.int32)
    rowids, cmult, wx, sel_m, sel_u, fold, min_kept_ds = _consts(n, c, h, w)
    nrows = rowids.shape[0]
    rpw = nrows // _NW

    sc_hist = pl.kernel(
        functools.partial(_sc_hist_body, c, rpw, w),
        out_type=jax.ShapeDtypeStruct((_NW, (c - 1) * _L), jnp.int32),
        mesh=plsc.VectorSubcoreMesh(core_axis_name="c", subcore_axis_name="s"),
        scratch_types=[
            pltpu.VMEM((rpw,), jnp.int32),
            pltpu.VMEM((rpw, w), jnp.int32),
            pltpu.VMEM((w,), jnp.int32),
            pltpu.VMEM(((c - 1) * _L,), jnp.int32),
            pltpu.SemaphoreType.DMA,
        ],
    )
    schist = sc_hist(tgt.reshape(n * h, w), jnp.asarray(rowids),
                     jnp.asarray(cmult))

    bh = _BP // w
    nblk = h // bh
    grid = (n, nblk)
    partials = pl.pallas_call(
        functools.partial(_main_body, c),
        grid=grid,
        in_specs=[
            pl.BlockSpec((1, c, bh, w), lambda i, j: (i, 0, j, 0)),
            pl.BlockSpec((1, bh, w), lambda i, j: (i, j, 0)),
        ],
        out_specs=pl.BlockSpec((1, 64, 128), lambda i, j: (i * nblk + j, 0, 0)),
        out_shape=jax.ShapeDtypeStruct((n * nblk, 64, 128), jnp.float32),
    )(predict, tgt)

    out = pl.pallas_call(
        functools.partial(_combine_body, c, min_kept_ds, 1.0 / (n * h * w)),
        grid=(1,),
        in_specs=[
            pl.BlockSpec(partials.shape, lambda i: (0, 0, 0)),
            pl.BlockSpec((1, c, 8, w), lambda i: (0, 0, 0, 0)),
            pl.BlockSpec((1, 8, w), lambda i: (0, 0, 0)),
            pl.BlockSpec((w, 128), lambda i: (0, 0)),
            pl.BlockSpec((w, 128), lambda i: (0, 0)),
            pl.BlockSpec((1, c), lambda i: (0, 0)),
            pl.BlockSpec(schist.shape, lambda i: (0, 0)),
            pl.BlockSpec(fold.shape, lambda i: (0, 0)),
        ],
        out_specs=pl.BlockSpec((1, 1), lambda i: (0, 0)),
        out_shape=jax.ShapeDtypeStruct((1, 1), jnp.float32),
    )(partials, predict, tgt, jnp.asarray(sel_m), jnp.asarray(sel_u),
      jnp.asarray(wx).reshape(1, c), schist, jnp.asarray(fold))
    return out[0, 0]

# --- scband reference (transcript-rebuilt; emitter-appended) ---
"""Pipeline reference for scband-ohem-cross-entropy2d-47485158425490 (READ-ONLY COPY).

The authoritative reference and input builder live on the scoring server;
editing this copy changes nothing except your own understanding.
"""

import jax, jax.numpy as jnp
import numpy as np

THRESH = 0.7
MIN_KEPT = 100000
FACTOR = 8


def _zoom_bilinear(x, out_h, out_w):
    # scipy.ndimage.zoom order=1, grid_mode=False coordinate convention:
    # x_in = x_out * (in - 1) / (out - 1)
    n, c, h, w = x.shape
    yc = jnp.arange(out_h) * (h - 1) / (out_h - 1)
    xc = jnp.arange(out_w) * (w - 1) / (out_w - 1)
    y0 = jnp.clip(jnp.floor(yc).astype(jnp.int32), 0, h - 1)
    y1 = jnp.clip(y0 + 1, 0, h - 1)
    wy = (yc - y0).astype(x.dtype)
    xi = x[:, :, y0, :] * (1.0 - wy)[None, None, :, None] + x[:, :, y1, :] * wy[None, None, :, None]
    x0 = jnp.clip(jnp.floor(xc).astype(jnp.int32), 0, w - 1)
    x1 = jnp.clip(x0 + 1, 0, w - 1)
    wx = (xc - x0).astype(x.dtype)
    out = xi[:, :, :, x0] * (1.0 - wx) + xi[:, :, :, x1] * wx
    return out


def _zoom_nearest(t, out_h, out_w):
    # scipy.ndimage.zoom order=0: round(x_out * (in-1)/(out-1))
    n, h, w = t.shape
    yi = jnp.clip(jnp.floor(jnp.arange(out_h) * (h - 1) / (out_h - 1) + 0.5).astype(jnp.int32), 0, h - 1)
    xi = jnp.clip(jnp.floor(jnp.arange(out_w) * (w - 1) / (out_w - 1) + 0.5).astype(jnp.int32), 0, w - 1)
    return t[:, yi, :][:, :, xi]


def _find_threshold(predict_prob, target):
    n, c, h, w = predict_prob.shape
    out_h = int(round(h / FACTOR))
    out_w = int(round(w / FACTOR))
    predict = _zoom_bilinear(predict_prob, out_h, out_w)
    tgt = _zoom_nearest(target, out_h, out_w)
    min_kept = MIN_KEPT // (FACTOR * FACTOR)
    input_label = tgt.reshape(-1).astype(jnp.int32)
    input_prob = jnp.moveaxis(predict, 1, 0).reshape(c, -1)
    valid_flag = input_label  # faithful to original (nonzero labels valid; int fancy-indexing)
    label = input_label[valid_flag]
    num_valid = jnp.sum(valid_flag)
    prob = input_prob[:, valid_flag]
    pred = prob[label, jnp.arange(label.shape[0])]
    threshold = jnp.asarray(THRESH, dtype=pred.dtype)
    if min_kept > 0:
        k_th = min(pred.shape[0], min_kept) - 1
        # np.partition(pred, k_th)[k_th] == sorted(pred)[k_th]
        new_threshold = jnp.sort(pred)[k_th]
        threshold = jnp.where(new_threshold > THRESH, new_threshold, threshold)
    threshold = jnp.where(
        min_kept >= num_valid,
        jnp.asarray(1.0, dtype=pred.dtype),
        jnp.where(num_valid > 0, threshold, jnp.asarray(1.0, dtype=pred.dtype)),
    )
    return threshold


def _generate_new_target(prob, target):
    n, c, h, w = prob.shape
    threshold = _find_threshold(prob, target)
    input_label = target.reshape(-1).astype(jnp.int32)
    input_prob = jnp.moveaxis(prob, 1, 0).reshape(c, -1)
    valid_flag = input_label
    label = input_label[valid_flag]
    num_valid = jnp.sum(valid_flag)
    p = input_prob[:, valid_flag]
    pred = p[label, jnp.arange(label.shape[0])]
    kept_flag = pred <= threshold
    keep = (valid_flag != 0) & jnp.where(num_valid > 0, kept_flag, True)
    new_label = jnp.where(keep, input_label, jnp.zeros_like(input_label))
    return new_label.reshape(target.shape)


def setup_inputs(seed: int = 0) -> dict:
    key = jax.random.key(seed)
    k1, k2 = jax.random.split(key)
    predict = jax.random.normal(k1, (4, 19, 512, 512), dtype=jnp.float32)
    # labels in [1, 19): label 0 means 'ignore' in this module; all-valid targets
    # keep the original numpy boolean/int indexing paths shape-consistent
    target = jax.random.randint(k2, (4, 512, 512), 1, 19).astype(jnp.int64)
    return {"predict": predict, "target": target}


def reference(predict, target):
    input_prob = jax.nn.softmax(predict, axis=1)
    new_target = _generate_new_target(input_prob, target)
    logp = jax.nn.log_softmax(predict, axis=1)
    nll = -jnp.take_along_axis(logp, new_target[:, None, :, :].astype(jnp.int32), axis=1)[:, 0]
    return jnp.mean(nll)

if __name__ == "__main__":
    import jax
    _d = setup_inputs()
    print(jax.jit(kernel)(*tuple(_d.values())))

</pallas_src>

<mosaic_0001>
#map = affine_map<(d0, d1) -> (0, 0)>
#map1 = affine_map<(d0, d1) -> (0)>
module attributes {stable_mosaic.version = 14 : i64} {
  func.func @_sc_hist_body(%arg0: i32, %arg1: i32, %arg2: memref<2048x512xi32, #tpu.memory_space<hbm>>, %arg3: memref<256xi32, #tpu.memory_space<hbm>>, %arg4: memref<512xi32, #tpu.memory_space<hbm>>, %arg5: memref<32x288xi32, #tpu.memory_space<hbm>>, %arg6: memref<8xi32, #tpu.memory_space<vmem>>, %arg7: memref<8x512xi32, #tpu.memory_space<vmem>>, %arg8: memref<512xi32, #tpu.memory_space<vmem>>, %arg9: memref<288xi32, #tpu.memory_space<vmem>>, %arg10: memref<!tpu.dma_semaphore, #tpu.memory_space<semaphore_mem>>) attributes {dimension_semantics = [#tpu.dimension_semantics<core_parallel>, #tpu.dimension_semantics<subcore_parallel>], iteration_bounds = array<i64: 2, 16>, scalar_prefetch = 0 : i64, scratch_operands = 5 : i64, tpu.core_type = #tpu.core_type<sc_vector_subcore>, window_params = [{transform_indices = #map}, {transform_indices = #map1}, {transform_indices = #map1}, {transform_indices = #map}]} {
    %mul3A = arith.constant 2 : i32
    %mul3A_0 = arith.muli %arg1, %mul3A : i32
    %add3A = arith.addi %mul3A_0, %arg0 : i32
    %mul3A_1 = arith.constant 8 : i32
    %mul3A_2 = arith.muli %add3A, %mul3A_1 : i32
    "tpu.region"() ({
      %run_scoped3A = tpu.sem_alloc : memref<!tpu.dma_semaphore, #tpu.memory_space<semaphore_mem>>
      %dma_start3A_84 = tpu.memref_slice %arg3[%mul3A_2] : memref<256xi32, #tpu.memory_space<hbm>> -> memref<8xi32, #tpu.memory_space<hbm>>
      %dma_start3A_85 = tpu.memref_slice %arg3[%mul3A_2] : memref<256xi32, #tpu.memory_space<hbm>> -> memref<8xi32, #tpu.memory_space<hbm>>
      tpu.enqueue_dma source(%dma_start3A_85 : memref<8xi32, #tpu.memory_space<hbm>>) target(%arg6 : memref<8xi32, #tpu.memory_space<vmem>>) target_semaphore(%run_scoped3A : memref<!tpu.dma_semaphore, #tpu.memory_space<semaphore_mem>>)
      %dma_wait3A_86 = tpu.memref_slice %arg3[%mul3A_2] : memref<256xi32, #tpu.memory_space<hbm>> -> memref<8xi32, #tpu.memory_space<hbm>>
      %dma_wait3A_87 = tpu.memref_slice %arg3[%mul3A_2] : memref<256xi32, #tpu.memory_space<hbm>> -> memref<8xi32, #tpu.memory_space<hbm>>
      tpu.wait_dma2 semaphore(%run_scoped3A : memref<!tpu.dma_semaphore, #tpu.memory_space<semaphore_mem>>) src(%dma_wait3A_87 : memref<8xi32, #tpu.memory_space<hbm>>) dst(%arg6 : memref<8xi32, #tpu.memory_space<vmem>>)
      tpu.yield
    }) : () -> ()
    %dma_start3A = arith.constant 0 : i32
    %dma_start3A_3 = arith.constant 0 : i32
    %dma_start3A_4 = tpu.memref_slice %arg2[%dma_start3A, %dma_start3A_3] : memref<2048x512xi32, #tpu.memory_space<hbm>> -> memref<2048x512xi32, #tpu.memory_space<hbm>>
    tpu.enqueue_indirect_dma source(%dma_start3A_4 : memref<2048x512xi32, #tpu.memory_space<hbm>>) target(%arg7 : memref<8x512xi32, #tpu.memory_space<vmem>>) offsets(%arg6 : memref<8xi32, #tpu.memory_space<vmem>>) semaphore(%arg10 : memref<!tpu.dma_semaphore, #tpu.memory_space<semaphore_mem>>)
    %dma_wait3A = arith.constant 0 : i32
    %dma_wait3A_5 = arith.constant 0 : i32
    %dma_wait3A_6 = tpu.memref_slice %arg2[%dma_wait3A, %dma_wait3A_5] : memref<2048x512xi32, #tpu.memory_space<hbm>> -> memref<2048x512xi32, #tpu.memory_space<hbm>>
    tpu.wait_indirect_dma semaphore(%arg10 : memref<!tpu.dma_semaphore, #tpu.memory_space<semaphore_mem>>) src(%dma_wait3A_6 : memref<2048x512xi32, #tpu.memory_space<hbm>>) dst(%arg7 : memref<8x512xi32, #tpu.memory_space<vmem>>)
    "tpu.region"() ({
      %run_scoped3A = tpu.sem_alloc : memref<!tpu.dma_semaphore, #tpu.memory_space<semaphore_mem>>
      tpu.enqueue_dma source(%arg4 : memref<512xi32, #tpu.memory_space<hbm>>) target(%arg8 : memref<512xi32, #tpu.memory_space<vmem>>) target_semaphore(%run_scoped3A : memref<!tpu.dma_semaphore, #tpu.memory_space<semaphore_mem>>)
      tpu.wait_dma2 semaphore(%run_scoped3A : memref<!tpu.dma_semaphore, #tpu.memory_space<semaphore_mem>>) src(%arg4 : memref<512xi32, #tpu.memory_space<hbm>>) dst(%arg8 : memref<512xi32, #tpu.memory_space<vmem>>)
      tpu.yield
    }) : () -> ()
    %broadcast_in_dim3A = arith.constant 0 : i32
    %broadcast_in_dim3A_7 = vector.broadcast %broadcast_in_dim3A : i32 to vector<16xi32>
    %scan3A = arith.constant 0 : i32
    %scan3A_8 = arith.constant 128 : i32
    %scan3A_9 = arith.addi %scan3A, %scan3A_8 : i32
    %scan3A_10 = arith.constant 1 : i32
    %scan3A_11:18 = scf.for %scan3A_84 = %scan3A to %scan3A_9 step %scan3A_10 iter_args(%scan3A_85 = %broadcast_in_dim3A_7, %scan3A_86 = %broadcast_in_dim3A_7, %scan3A_87 = %broadcast_in_dim3A_7, %scan3A_88 = %broadcast_in_dim3A_7, %scan3A_89 = %broadcast_in_dim3A_7, %scan3A_90 = %broadcast_in_dim3A_7, %scan3A_91 = %broadcast_in_dim3A_7, %scan3A_92 = %broadcast_in_dim3A_7, %scan3A_93 = %broadcast_in_dim3A_7, %scan3A_94 = %broadcast_in_dim3A_7, %scan3A_95 = %broadcast_in_dim3A_7, %scan3A_96 = %broadcast_in_dim3A_7, %scan3A_97 = %broadcast_in_dim3A_7, %scan3A_98 = %broadcast_in_dim3A_7, %scan3A_99 = %broadcast_in_dim3A_7, %scan3A_100 = %broadcast_in_dim3A_7, %scan3A_101 = %broadcast_in_dim3A_7, %scan3A_102 = %broadcast_in_dim3A_7) -> (vector<16xi32>, vector<16xi32>, vector<16xi32>, vector<16xi32>, vector<16xi32>, vector<16xi32>, vector<16xi32>, vector<16xi32>, vector<16xi32>, vector<16xi32>, vector<16xi32>, vector<16xi32>, vector<16xi32>, vector<16xi32>, vector<16xi32>, vector<16xi32>, vector<16xi32>, vector<16xi32>)  : i32 {
      %shift_right_logical3A = arith.constant 4 : i32
      %shift_right_logical3A_103 = arith.shrui %scan3A_84, %shift_right_logical3A : i32
      %and3A = arith.constant 15 : i32
      %and3A_104 = arith.andi %scan3A_84, %and3A : i32
      %add3A_105 = arith.constant 0 : i32
      %add3A_106 = arith.addi %and3A_104, %add3A_105 : i32
      %mul3A_107 = arith.constant 16 : i32
      %mul3A_108 = arith.muli %add3A_106, %mul3A_107 : i32
      %get3A = arith.index_cast %shift_right_logical3A_103 : i32 to index
      %get3A_109 = arith.index_cast %mul3A_108 : i32 to index
      %get3A_110 = tpu.vector_load %arg7[%get3A, %get3A_109] {strides = array<i32>} : memref<8x512xi32, #tpu.memory_space<vmem>>, vector<1x16xi32>,
      %get3A_111 = vector.shape_cast %get3A_110 : vector<1x16xi32> to vector<16xi32>
      %get3A_112 = arith.index_cast %mul3A_108 : i32 to index
      %get3A_113 = tpu.vector_load %arg8[%get3A_112] {strides = array<i32>} : memref<512xi32, #tpu.memory_space<vmem>>, vector<16xi32>,
      %get3A_114 = vector.shape_cast %get3A_113 : vector<16xi32> to vector<16xi32>
      %eq3A = arith.constant 1 : i32
      %eq3A_115 = vector.broadcast %eq3A : i32 to vector<16xi32>
      %eq3A_116 = arith.cmpi eq, %get3A_111, %eq3A_115 : vector<16xi32>
      %select_n3A = arith.select %eq3A_116, %get3A_114, %broadcast_in_dim3A_7 : vector<16xi1>, vector<16xi32>
      %add3A_117 = arith.addi %scan3A_85, %select_n3A : vector<16xi32>
      %eq3A_118 = arith.constant 2 : i32
      %eq3A_119 = vector.broadcast %eq3A_118 : i32 to vector<16xi32>
      %eq3A_120 = arith.cmpi eq, %get3A_111, %eq3A_119 : vector<16xi32>
      %select_n3A_121 = arith.select %eq3A_120, %get3A_114, %broadcast_in_dim3A_7 : vector<16xi1>, vector<16xi32>
      %add3A_122 = arith.addi %scan3A_86, %select_n3A_121 : vector<16xi32>
      %eq3A_123 = arith.constant 3 : i32
      %eq3A_124 = vector.broadcast %eq3A_123 : i32 to vector<16xi32>
      %eq3A_125 = arith.cmpi eq, %get3A_111, %eq3A_124 : vector<16xi32>
      %select_n3A_126 = arith.select %eq3A_125, %get3A_114, %broadcast_in_dim3A_7 : vector<16xi1>, vector<16xi32>
      %add3A_127 = arith.addi %scan3A_87, %select_n3A_126 : vector<16xi32>
      %eq3A_128 = arith.constant 4 : i32
      %eq3A_129 = vector.broadcast %eq3A_128 : i32 to vector<16xi32>
      %eq3A_130 = arith.cmpi eq, %get3A_111, %eq3A_129 : vector<16xi32>
      %select_n3A_131 = arith.select %eq3A_130, %get3A_114, %broadcast_in_dim3A_7 : vector<16xi1>, vector<16xi32>
      %add3A_132 = arith.addi %scan3A_88, %select_n3A_131 : vector<16xi32>
      %eq3A_133 = arith.constant 5 : i32
      %eq3A_134 = vector.broadcast %eq3A_133 : i32 to vector<16xi32>
      %eq3A_135 = arith.cmpi eq, %get3A_111, %eq3A_134 : vector<16xi32>
      %select_n3A_136 = arith.select %eq3A_135, %get3A_114, %broadcast_in_dim3A_7 : vector<16xi1>, vector<16xi32>
      %add3A_137 = arith.addi %scan3A_89, %select_n3A_136 : vector<16xi32>
      %eq3A_138 = arith.constant 6 : i32
      %eq3A_139 = vector.broadcast %eq3A_138 : i32 to vector<16xi32>
      %eq3A_140 = arith.cmpi eq, %get3A_111, %eq3A_139 : vector<16xi32>
      %select_n3A_141 = arith.select %eq3A_140, %get3A_114, %broadcast_in_dim3A_7 : vector<16xi1>, vector<16xi32>
      %add3A_142 = arith.addi %scan3A_90, %select_n3A_141 : vector<16xi32>
      %eq3A_143 = arith.constant 7 : i32
      %eq3A_144 = vector.broadcast %eq3A_143 : i32 to vector<16xi32>
      %eq3A_145 = arith.cmpi eq, %get3A_111, %eq3A_144 : vector<16xi32>
      %select_n3A_146 = arith.select %eq3A_145, %get3A_114, %broadcast_in_dim3A_7 : vector<16xi1>, vector<16xi32>
      %add3A_147 = arith.addi %scan3A_91, %select_n3A_146 : vector<16xi32>
      %eq3A_148 = arith.constant 8 : i32
      %eq3A_149 = vector.broadcast %eq3A_148 : i32 to vector<16xi32>
      %eq3A_150 = arith.cmpi eq, %get3A_111, %eq3A_149 : vector<16xi32>
      %select_n3A_151 = arith.select %eq3A_150, %get3A_114, %broadcast_in_dim3A_7 : vector<16xi1>, vector<16xi32>
      %add3A_152 = arith.addi %scan3A_92, %select_n3A_151 : vector<16xi32>
      %eq3A_153 = arith.constant 9 : i32
      %eq3A_154 = vector.broadcast %eq3A_153 : i32 to vector<16xi32>
      %eq3A_155 = arith.cmpi eq, %get3A_111, %eq3A_154 : vector<16xi32>
      %select_n3A_156 = arith.select %eq3A_155, %get3A_114, %broadcast_in_dim3A_7 : vector<16xi1>, vector<16xi32>
      %add3A_157 = arith.addi %scan3A_93, %select_n3A_156 : vector<16xi32>
      %eq3A_158 = arith.constant 10 : i32
      %eq3A_159 = vector.broadcast %eq3A_158 : i32 to vector<16xi32>
      %eq3A_160 = arith.cmpi eq, %get3A_111, %eq3A_159 : vector<16xi32>
      %select_n3A_161 = arith.select %eq3A_160, %get3A_114, %broadcast_in_dim3A_7 : vector<16xi1>, vector<16xi32>
      %add3A_162 = arith.addi %scan3A_94, %select_n3A_161 : vector<16xi32>
      %eq3A_163 = arith.constant 11 : i32
      %eq3A_164 = vector.broadcast %eq3A_163 : i32 to vector<16xi32>
      %eq3A_165 = arith.cmpi eq, %get3A_111, %eq3A_164 : vector<16xi32>
      %select_n3A_166 = arith.select %eq3A_165, %get3A_114, %broadcast_in_dim3A_7 : vector<16xi1>, vector<16xi32>
      %add3A_167 = arith.addi %scan3A_95, %select_n3A_166 : vector<16xi32>
      %eq3A_168 = arith.constant 12 : i32
      %eq3A_169 = vector.broadcast %eq3A_168 : i32 to vector<16xi32>
      %eq3A_170 = arith.cmpi eq, %get3A_111, %eq3A_169 : vector<16xi32>
      %select_n3A_171 = arith.select %eq3A_170, %get3A_114, %broadcast_in_dim3A_7 : vector<16xi1>, vector<16xi32>
      %add3A_172 = arith.addi %scan3A_96, %select_n3A_171 : vector<16xi32>
      %eq3A_173 = arith.constant 13 : i32
      %eq3A_174 = vector.broadcast %eq3A_173 : i32 to vector<16xi32>
      %eq3A_175 = arith.cmpi eq, %get3A_111, %eq3A_174 : vector<16xi32>
      %select_n3A_176 = arith.select %eq3A_175, %get3A_114, %broadcast_in_dim3A_7 : vector<16xi1>, vector<16xi32>
      %add3A_177 = arith.addi %scan3A_97, %select_n3A_176 : vector<16xi32>
      %eq3A_178 = arith.constant 14 : i32
      %eq3A_179 = vector.broadcast %eq3A_178 : i32 to vector<16xi32>
      %eq3A_180 = arith.cmpi eq, %get3A_111, %eq3A_179 : vector<16xi32>
      %select_n3A_181 = arith.select %eq3A_180, %get3A_114, %broadcast_in_dim3A_7 : vector<16xi1>, vector<16xi32>
      %add3A_182 = arith.addi %scan3A_98, %select_n3A_181 : vector<16xi32>
      %eq3A_183 = arith.constant 15 : i32
      %eq3A_184 = vector.broadcast %eq3A_183 : i32 to vector<16xi32>
      %eq3A_185 = arith.cmpi eq, %get3A_111, %eq3A_184 : vector<16xi32>
      %select_n3A_186 = arith.select %eq3A_185, %get3A_114, %broadcast_in_dim3A_7 : vector<16xi1>, vector<16xi32>
      %add3A_187 = arith.addi %scan3A_99, %select_n3A_186 : vector<16xi32>
      %eq3A_188 = arith.constant 16 : i32
      %eq3A_189 = vector.broadcast %eq3A_188 : i32 to vector<16xi32>
      %eq3A_190 = arith.cmpi eq, %get3A_111, %eq3A_189 : vector<16xi32>
      %select_n3A_191 = arith.select %eq3A_190, %get3A_114, %broadcast_in_dim3A_7 : vector<16xi1>, vector<16xi32>
      %add3A_192 = arith.addi %scan3A_100, %select_n3A_191 : vector<16xi32>
      %eq3A_193 = arith.constant 17 : i32
      %eq3A_194 = vector.broadcast %eq3A_193 : i32 to vector<16xi32>
      %eq3A_195 = arith.cmpi eq, %get3A_111, %eq3A_194 : vector<16xi32>
      %select_n3A_196 = arith.select %eq3A_195, %get3A_114, %broadcast_in_dim3A_7 : vector<16xi1>, vector<16xi32>
      %add3A_197 = arith.addi %scan3A_101, %select_n3A_196 : vector<16xi32>
      %eq3A_198 = arith.constant 18 : i32
      %eq3A_199 = vector.broadcast %eq3A_198 : i32 to vector<16xi32>
      %eq3A_200 = arith.cmpi eq, %get3A_111, %eq3A_199 : vector<16xi32>
      %select_n3A_201 = arith.select %eq3A_200, %get3A_114, %broadcast_in_dim3A_7 : vector<16xi1>, vector<16xi32>
      %add3A_202 = arith.addi %scan3A_102, %select_n3A_201 : vector<16xi32>
      %add3A_203 = arith.constant 16 : i32
      %add3A_204 = arith.addi %and3A_104, %add3A_203 : i32
      %mul3A_205 = arith.constant 16 : i32
      %mul3A_206 = arith.muli %add3A_204, %mul3A_205 : i32
      %get3A_207 = arith.index_cast %shift_right_logical3A_103 : i32 to index
      %get3A_208 = arith.index_cast %mul3A_206 : i32 to index
      %get3A_209 = tpu.vector_load %arg7[%get3A_207, %get3A_208] {strides = array<i32>} : memref<8x512xi32, #tpu.memory_space<vmem>>, vector<1x16xi32>,
      %get3A_210 = vector.shape_cast %get3A_209 : vector<1x16xi32> to vector<16xi32>
      %get3A_211 = arith.index_cast %mul3A_206 : i32 to index
      %get3A_212 = tpu.vector_load %arg8[%get3A_211] {strides = array<i32>} : memref<512xi32, #tpu.memory_space<vmem>>, vector<16xi32>,
      %get3A_213 = vector.shape_cast %get3A_212 : vector<16xi32> to vector<16xi32>
      %eq3A_214 = arith.constant 1 : i32
      %eq3A_215 = vector.broadcast %eq3A_214 : i32 to vector<16xi32>
      %eq3A_216 = arith.cmpi eq, %get3A_210, %eq3A_215 : vector<16xi32>
      %select_n3A_217 = arith.select %eq3A_216, %get3A_213, %broadcast_in_dim3A_7 : vector<16xi1>, vector<16xi32>
      %add3A_218 = arith.addi %add3A_117, %select_n3A_217 : vector<16xi32>
      %eq3A_219 = arith.constant 2 : i32
      %eq3A_220 = vector.broadcast %eq3A_219 : i32 to vector<16xi32>
      %eq3A_221 = arith.cmpi eq, %get3A_210, %eq3A_220 : vector<16xi32>
      %select_n3A_222 = arith.select %eq3A_221, %get3A_213, %broadcast_in_dim3A_7 : vector<16xi1>, vector<16xi32>
      %add3A_223 = arith.addi %add3A_122, %select_n3A_222 : vector<16xi32>
      %eq3A_224 = arith.constant 3 : i32
      %eq3A_225 = vector.broadcast %eq3A_224 : i32 to vector<16xi32>
      %eq3A_226 = arith.cmpi eq, %get3A_210, %eq3A_225 : vector<16xi32>
      %select_n3A_227 = arith.select %eq3A_226, %get3A_213, %broadcast_in_dim3A_7 : vector<16xi1>, vector<16xi32>
      %add3A_228 = arith.addi %add3A_127, %select_n3A_227 : vector<16xi32>
      %eq3A_229 = arith.constant 4 : i32
      %eq3A_230 = vector.broadcast %eq3A_229 : i32 to vector<16xi32>
      %eq3A_231 = arith.cmpi eq, %get3A_210, %eq3A_230 : vector<16xi32>
      %select_n3A_232 = arith.select %eq3A_231, %get3A_213, %broadcast_in_dim3A_7 : vector<16xi1>, vector<16xi32>
      %add3A_233 = arith.addi %add3A_132, %select_n3A_232 : vector<16xi32>
      %eq3A_234 = arith.constant 5 : i32
      %eq3A_235 = vector.broadcast %eq3A_234 : i32 to vector<16xi32>
      %eq3A_236 = arith.cmpi eq, %get3A_210, %eq3A_235 : vector<16xi32>
      %select_n3A_237 = arith.select %eq3A_236, %get3A_213, %broadcast_in_dim3A_7 : vector<16xi1>, vector<16xi32>
      %add3A_238 = arith.addi %add3A_137, %select_n3A_237 : vector<16xi32>
      %eq3A_239 = arith.constant 6 : i32
      %eq3A_240 = vector.broadcast %eq3A_239 : i32 to vector<16xi32>
      %eq3A_241 = arith.cmpi eq, %get3A_210, %eq3A_240 : vector<16xi32>
      %select_n3A_242 = arith.select %eq3A_241, %get3A_213, %broadcast_in_dim3A_7 : vector<16xi1>, vector<16xi32>
      %add3A_243 = arith.addi %add3A_142, %select_n3A_242 : vector<16xi32>
      %eq3A_244 = arith.constant 7 : i32
      %eq3A_245 = vector.broadcast %eq3A_244 : i32 to vector<16xi32>
      %eq3A_246 = arith.cmpi eq, %get3A_210, %eq3A_245 : vector<16xi32>
      %select_n3A_247 = arith.select %eq3A_246, %get3A_213, %broadcast_in_dim3A_7 : vector<16xi1>, vector<16xi32>
      %add3A_248 = arith.addi %add3A_147, %select_n3A_247 : vector<16xi32>
      %eq3A_249 = arith.constant 8 : i32
      %eq3A_250 = vector.broadcast %eq3A_249 : i32 to vector<16xi32>
      %eq3A_251 = arith.cmpi eq, %get3A_210, %eq3A_250 : vector<16xi32>
      %select_n3A_252 = arith.select %eq3A_251, %get3A_213, %broadcast_in_dim3A_7 : vector<16xi1>, vector<16xi32>
      %add3A_253 = arith.addi %add3A_152, %select_n3A_252 : vector<16xi32>
      %eq3A_254 = arith.constant 9 : i32
      %eq3A_255 = vector.broadcast %eq3A_254 : i32 to vector<16xi32>
      %eq3A_256 = arith.cmpi eq, %get3A_210, %eq3A_255 : vector<16xi32>
      %select_n3A_257 = arith.select %eq3A_256, %get3A_213, %broadcast_in_dim3A_7 : vector<16xi1>, vector<16xi32>
      %add3A_258 = arith.addi %add3A_157, %select_n3A_257 : vector<16xi32>
      %eq3A_259 = arith.constant 10 : i32
      %eq3A_260 = vector.broadcast %eq3A_259 : i32 to vector<16xi32>
      %eq3A_261 = arith.cmpi eq, %get3A_210, %eq3A_260 : vector<16xi32>
      %select_n3A_262 = arith.select %eq3A_261, %get3A_213, %broadcast_in_dim3A_7 : vector<16xi1>, vector<16xi32>
      %add3A_263 = arith.addi %add3A_162, %select_n3A_262 : vector<16xi32>
      %eq3A_264 = arith.constant 11 : i32
      %eq3A_265 = vector.broadcast %eq3A_264 : i32 to vector<16xi32>
      %eq3A_266 = arith.cmpi eq, %get3A_210, %eq3A_265 : vector<16xi32>
      %select_n3A_267 = arith.select %eq3A_266, %get3A_213, %broadcast_in_dim3A_7 : vector<16xi1>, vector<16xi32>
      %add3A_268 = arith.addi %add3A_167, %select_n3A_267 : vector<16xi32>
      %eq3A_269 = arith.constant 12 : i32
      %eq3A_270 = vector.broadcast %eq3A_269 : i32 to vector<16xi32>
      %eq3A_271 = arith.cmpi eq, %get3A_210, %eq3A_270 : vector<16xi32>
      %select_n3A_272 = arith.select %eq3A_271, %get3A_213, %broadcast_in_dim3A_7 : vector<16xi1>, vector<16xi32>
      %add3A_273 = arith.addi %add3A_172, %select_n3A_272 : vector<16xi32>
      %eq3A_274 = arith.constant 13 : i32
      %eq3A_275 = vector.broadcast %eq3A_274 : i32 to vector<16xi32>
      %eq3A_276 = arith.cmpi eq, %get3A_210, %eq3A_275 : vector<16xi32>
      %select_n3A_277 = arith.select %eq3A_276, %get3A_213, %broadcast_in_dim3A_7 : vector<16xi1>, vector<16xi32>
      %add3A_278 = arith.addi %add3A_177, %select_n3A_277 : vector<16xi32>
      %eq3A_279 = arith.constant 14 : i32
      %eq3A_280 = vector.broadcast %eq3A_279 : i32 to vector<16xi32>
      %eq3A_281 = arith.cmpi eq, %get3A_210, %eq3A_280 : vector<16xi32>
      %select_n3A_282 = arith.select %eq3A_281, %get3A_213, %broadcast_in_dim3A_7 : vector<16xi1>, vector<16xi32>
      %add3A_283 = arith.addi %add3A_182, %select_n3A_282 : vector<16xi32>
      %eq3A_284 = arith.constant 15 : i32
      %eq3A_285 = vector.broadcast %eq3A_284 : i32 to vector<16xi32>
      %eq3A_286 = arith.cmpi eq, %get3A_210, %eq3A_285 : vector<16xi32>
      %select_n3A_287 = arith.select %eq3A_286, %get3A_213, %broadcast_in_dim3A_7 : vector<16xi1>, vector<16xi32>
      %add3A_288 = arith.addi %add3A_187, %select_n3A_287 : vector<16xi32>
      %eq3A_289 = arith.constant 16 : i32
      %eq3A_290 = vector.broadcast %eq3A_289 : i32 to vector<16xi32>
      %eq3A_291 = arith.cmpi eq, %get3A_210, %eq3A_290 : vector<16xi32>
      %select_n3A_292 = arith.select %eq3A_291, %get3A_213, %broadcast_in_dim3A_7 : vector<16xi1>, vector<16xi32>
      %add3A_293 = arith.addi %add3A_192, %select_n3A_292 : vector<16xi32>
      %eq3A_294 = arith.constant 17 : i32
      %eq3A_295 = vector.broadcast %eq3A_294 : i32 to vector<16xi32>
      %eq3A_296 = arith.cmpi eq, %get3A_210, %eq3A_295 : vector<16xi32>
      %select_n3A_297 = arith.select %eq3A_296, %get3A_213, %broadcast_in_dim3A_7 : vector<16xi1>, vector<16xi32>
      %add3A_298 = arith.addi %add3A_197, %select_n3A_297 : vector<16xi32>
      %eq3A_299 = arith.constant 18 : i32
      %eq3A_300 = vector.broadcast %eq3A_299 : i32 to vector<16xi32>
      %eq3A_301 = arith.cmpi eq, %get3A_210, %eq3A_300 : vector<16xi32>
      %select_n3A_302 = arith.select %eq3A_301, %get3A_213, %broadcast_in_dim3A_7 : vector<16xi1>, vector<16xi32>
      %add3A_303 = arith.addi %add3A_202, %select_n3A_302 : vector<16xi32>
      scf.yield %add3A_218, %add3A_223, %add3A_228, %add3A_233, %add3A_238, %add3A_243, %add3A_248, %add3A_253, %add3A_258, %add3A_263, %add3A_268, %add3A_273, %add3A_278, %add3A_283, %add3A_288, %add3A_293, %add3A_298, %add3A_303 : vector<16xi32>, vector<16xi32>, vector<16xi32>, vector<16xi32>, vector<16xi32>, vector<16xi32>, vector<16xi32>, vector<16xi32>, vector<16xi32>, vector<16xi32>, vector<16xi32>, vector<16xi32>, vector<16xi32>, vector<16xi32>, vector<16xi32>, vector<16xi32>, vector<16xi32>, vector<16xi32>
    }
    %scan3A_12 = arith.constant 128 : i32
    %swap3A = arith.constant 0 : index
    %swap3A_13 = tpu.vector_load %arg9[%swap3A] {strides = array<i32>} : memref<288xi32, #tpu.memory_space<vmem>>, vector<16xi32>,
    %swap3A_14 = vector.shape_cast %swap3A_13 : vector<16xi32> to vector<16xi32>
    %swap3A_15 = vector.shape_cast %scan3A_11#0 : vector<16xi32> to vector<16xi32>
    tpu.vector_store %arg9[%swap3A], %swap3A_15 {strides = array<i32>} : memref<288xi32, #tpu.memory_space<vmem>>, vector<16xi32>,
    %swap3A_16 = arith.constant 16 : index
    %swap3A_17 = tpu.vector_load %arg9[%swap3A_16] {strides = array<i32>} : memref<288xi32, #tpu.memory_space<vmem>>, vector<16xi32>,
    %swap3A_18 = vector.shape_cast %swap3A_17 : vector<16xi32> to vector<16xi32>
    %swap3A_19 = vector.shape_cast %scan3A_11#1 : vector<16xi32> to vector<16xi32>
    tpu.vector_store %arg9[%swap3A_16], %swap3A_19 {strides = array<i32>} : memref<288xi32, #tpu.memory_space<vmem>>, vector<16xi32>,
    %swap3A_20 = arith.constant 32 : index
    %swap3A_21 = tpu.vector_load %arg9[%swap3A_20] {strides = array<i32>} : memref<288xi32, #tpu.memory_space<vmem>>, vector<16xi32>,
    %swap3A_22 = vector.shape_cast %swap3A_21 : vector<16xi32> to vector<16xi32>
    %swap3A_23 = vector.shape_cast %scan3A_11#2 : vector<16xi32> to vector<16xi32>
    tpu.vector_store %arg9[%swap3A_20], %swap3A_23 {strides = array<i32>} : memref<288xi32, #tpu.memory_space<vmem>>, vector<16xi32>,
    %swap3A_24 = arith.constant 48 : index
    %swap3A_25 = tpu.vector_load %arg9[%swap3A_24] {strides = array<i32>} : memref<288xi32, #tpu.memory_space<vmem>>, vector<16xi32>,
    %swap3A_26 = vector.shape_cast %swap3A_25 : vector<16xi32> to vector<16xi32>
    %swap3A_27 = vector.shape_cast %scan3A_11#3 : vector<16xi32> to vector<16xi32>
    tpu.vector_store %arg9[%swap3A_24], %swap3A_27 {strides = array<i32>} : memref<288xi32, #tpu.memory_space<vmem>>, vector<16xi32>,
    %swap3A_28 = arith.constant 64 : index
    %swap3A_29 = tpu.vector_load %arg9[%swap3A_28] {strides = array<i32>} : memref<288xi32, #tpu.memory_space<vmem>>, vector<16xi32>,
    %swap3A_30 = vector.shape_cast %swap3A_29 : vector<16xi32> to vector<16xi32>
    %swap3A_31 = vector.shape_cast %scan3A_11#4 : vector<16xi32> to vector<16xi32>
    tpu.vector_store %arg9[%swap3A_28], %swap3A_31 {strides = array<i32>} : memref<288xi32, #tpu.memory_space<vmem>>, vector<16xi32>,
    %swap3A_32 = arith.constant 80 : index
    %swap3A_33 = tpu.vector_load %arg9[%swap3A_32] {strides = array<i32>} : memref<288xi32, #tpu.memory_space<vmem>>, vector<16xi32>,
    %swap3A_34 = vector.shape_cast %swap3A_33 : vector<16xi32> to vector<16xi32>
    %swap3A_35 = vector.shape_cast %scan3A_11#5 : vector<16xi32> to vector<16xi32>
    tpu.vector_store %arg9[%swap3A_32], %swap3A_35 {strides = array<i32>} : memref<288xi32, #tpu.memory_space<vmem>>, vector<16xi32>,
    %swap3A_36 = arith.constant 96 : index
    %swap3A_37 = tpu.vector_load %arg9[%swap3A_36] {strides = array<i32>} : memref<288xi32, #tpu.memory_space<vmem>>, vector<16xi32>,
    %swap3A_38 = vector.shape_cast %swap3A_37 : vector<16xi32> to vector<16xi32>
    %swap3A_39 = vector.shape_cast %scan3A_11#6 : vector<16xi32> to vector<16xi32>
    tpu.vector_store %arg9[%swap3A_36], %swap3A_39 {strides = array<i32>} : memref<288xi32, #tpu.memory_space<vmem>>, vector<16xi32>,
    %swap3A_40 = arith.constant 112 : index
    %swap3A_41 = tpu.vector_load %arg9[%swap3A_40] {strides = array<i32>} : memref<288xi32, #tpu.memory_space<vmem>>, vector<16xi32>,
    %swap3A_42 = vector.shape_cast %swap3A_41 : vector<16xi32> to vector<16xi32>
    %swap3A_43 = vector.shape_cast %scan3A_11#7 : vector<16xi32> to vector<16xi32>
    tpu.vector_store %arg9[%swap3A_40], %swap3A_43 {strides = array<i32>} : memref<288xi32, #tpu.memory_space<vmem>>, vector<16xi32>,
    %swap3A_44 = arith.constant 128 : index
    %swap3A_45 = tpu.vector_load %arg9[%swap3A_44] {strides = array<i32>} : memref<288xi32, #tpu.memory_space<vmem>>, vector<16xi32>,
    %swap3A_46 = vector.shape_cast %swap3A_45 : vector<16xi32> to vector<16xi32>
    %swap3A_47 = vector.shape_cast %scan3A_11#8 : vector<16xi32> to vector<16xi32>
    tpu.vector_store %arg9[%swap3A_44], %swap3A_47 {strides = array<i32>} : memref<288xi32, #tpu.memory_space<vmem>>, vector<16xi32>,
    %swap3A_48 = arith.constant 144 : index
    %swap3A_49 = tpu.vector_load %arg9[%swap3A_48] {strides = array<i32>} : memref<288xi32, #tpu.memory_space<vmem>>, vector<16xi32>,
    %swap3A_50 = vector.shape_cast %swap3A_49 : vector<16xi32> to vector<16xi32>
    %swap3A_51 = vector.shape_cast %scan3A_11#9 : vector<16xi32> to vector<16xi32>
    tpu.vector_store %arg9[%swap3A_48], %swap3A_51 {strides = array<i32>} : memref<288xi32, #tpu.memory_space<vmem>>, vector<16xi32>,
    %swap3A_52 = arith.constant 160 : index
    %swap3A_53 = tpu.vector_load %arg9[%swap3A_52] {strides = array<i32>} : memref<288xi32, #tpu.memory_space<vmem>>, vector<16xi32>,
    %swap3A_54 = vector.shape_cast %swap3A_53 : vector<16xi32> to vector<16xi32>
    %swap3A_55 = vector.shape_cast %scan3A_11#10 : vector<16xi32> to vector<16xi32>
    tpu.vector_store %arg9[%swap3A_52], %swap3A_55 {strides = array<i32>} : memref<288xi32, #tpu.memory_space<vmem>>, vector<16xi32>,
    %swap3A_56 = arith.constant 176 : index
    %swap3A_57 = tpu.vector_load %arg9[%swap3A_56] {strides = array<i32>} : memref<288xi32, #tpu.memory_space<vmem>>, vector<16xi32>,
    %swap3A_58 = vector.shape_cast %swap3A_57 : vector<16xi32> to vector<16xi32>
    %swap3A_59 = vector.shape_cast %scan3A_11#11 : vector<16xi32> to vector<16xi32>
    tpu.vector_store %arg9[%swap3A_56], %swap3A_59 {strides = array<i32>} : memref<288xi32, #tpu.memory_space<vmem>>, vector<16xi32>,
    %swap3A_60 = arith.constant 192 : index
    %swap3A_61 = tpu.vector_load %arg9[%swap3A_60] {strides = array<i32>} : memref<288xi32, #tpu.memory_space<vmem>>, vector<16xi32>,
    %swap3A_62 = vector.shape_cast %swap3A_61 : vector<16xi32> to vector<16xi32>
    %swap3A_63 = vector.shape_cast %scan3A_11#12 : vector<16xi32> to vector<16xi32>
    tpu.vector_store %arg9[%swap3A_60], %swap3A_63 {strides = array<i32>} : memref<288xi32, #tpu.memory_space<vmem>>, vector<16xi32>,
    %swap3A_64 = arith.constant 208 : index
    %swap3A_65 = tpu.vector_load %arg9[%swap3A_64] {strides = array<i32>} : memref<288xi32, #tpu.memory_space<vmem>>, vector<16xi32>,
    %swap3A_66 = vector.shape_cast %swap3A_65 : vector<16xi32> to vector<16xi32>
    %swap3A_67 = vector.shape_cast %scan3A_11#13 : vector<16xi32> to vector<16xi32>
    tpu.vector_store %arg9[%swap3A_64], %swap3A_67 {strides = array<i32>} : memref<288xi32, #tpu.memory_space<vmem>>, vector<16xi32>,
    %swap3A_68 = arith.constant 224 : index
    %swap3A_69 = tpu.vector_load %arg9[%swap3A_68] {strides = array<i32>} : memref<288xi32, #tpu.memory_space<vmem>>, vector<16xi32>,
    %swap3A_70 = vector.shape_cast %swap3A_69 : vector<16xi32> to vector<16xi32>
    %swap3A_71 = vector.shape_cast %scan3A_11#14 : vector<16xi32> to vector<16xi32>
    tpu.vector_store %arg9[%swap3A_68], %swap3A_71 {strides = array<i32>} : memref<288xi32, #tpu.memory_space<vmem>>, vector<16xi32>,
    %swap3A_72 = arith.constant 240 : index
    %swap3A_73 = tpu.vector_load %arg9[%swap3A_72] {strides = array<i32>} : memref<288xi32, #tpu.memory_space<vmem>>, vector<16xi32>,
    %swap3A_74 = vector.shape_cast %swap3A_73 : vector<16xi32> to vector<16xi32>
    %swap3A_75 = vector.shape_cast %scan3A_11#15 : vector<16xi32> to vector<16xi32>
    tpu.vector_store %arg9[%swap3A_72], %swap3A_75 {strides = array<i32>} : memref<288xi32, #tpu.memory_space<vmem>>, vector<16xi32>,
    %swap3A_76 = arith.constant 256 : index
    %swap3A_77 = tpu.vector_load %arg9[%swap3A_76] {strides = array<i32>} : memref<288xi32, #tpu.memory_space<vmem>>, vector<16xi32>,
    %swap3A_78 = vector.shape_cast %swap3A_77 : vector<16xi32> to vector<16xi32>
    %swap3A_79 = vector.shape_cast %scan3A_11#16 : vector<16xi32> to vector<16xi32>
    tpu.vector_store %arg9[%swap3A_76], %swap3A_79 {strides = array<i32>} : memref<288xi32, #tpu.memory_space<vmem>>, vector<16xi32>,
    %swap3A_80 = arith.constant 272 : index
    %swap3A_81 = tpu.vector_load %arg9[%swap3A_80] {strides = array<i32>} : memref<288xi32, #tpu.memory_space<vmem>>, vector<16xi32>,
    %swap3A_82 = vector.shape_cast %swap3A_81 : vector<16xi32> to vector<16xi32>
    %swap3A_83 = vector.shape_cast %scan3A_11#17 : vector<16xi32> to vector<16xi32>
    tpu.vector_store %arg9[%swap3A_80], %swap3A_83 {strides = array<i32>} : memref<288xi32, #tpu.memory_space<vmem>>, vector<16xi32>,
    "tpu.region"() ({
      %run_scoped3A = tpu.sem_alloc : memref<!tpu.dma_semaphore, #tpu.memory_space<semaphore_mem>>
      %dma_start3A_84 = arith.constant 0 : i32
      %dma_start3A_85 = tpu.memref_slice %arg5[%add3A, %dma_start3A_84] : memref<32x288xi32, #tpu.memory_space<hbm>> -> memref<1x288xi32, #tpu.memory_space<hbm>>
      %dma_start3A_86 = tpu.memref_squeeze %dma_start3A_85 : memref<1x288xi32, #tpu.memory_space<hbm>> -> memref<288xi32, #tpu.memory_space<hbm>>
      %dma_start3A_87 = arith.constant 0 : i32
      %dma_start3A_88 = tpu.memref_slice %arg5[%add3A, %dma_start3A_87] : memref<32x288xi32, #tpu.memory_space<hbm>> -> memref<1x288xi32, #tpu.memory_space<hbm>>
      %dma_start3A_89 = tpu.memref_squeeze %dma_start3A_88 : memref<1x288xi32, #tpu.memory_space<hbm>> -> memref<288xi32, #tpu.memory_space<hbm>>
      tpu.enqueue_dma source(%arg9 : memref<288xi32, #tpu.memory_space<vmem>>) target(%dma_start3A_89 : memref<288xi32, #tpu.memory_space<hbm>>) target_semaphore(%run_scoped3A : memref<!tpu.dma_semaphore, #tpu.memory_space<semaphore_mem>>)
      %dma_wait3A_90 = arith.constant 0 : i32
      %dma_wait3A_91 = tpu.memref_slice %arg5[%add3A, %dma_wait3A_90] : memref<32x288xi32, #tpu.memory_space<hbm>> -> memref<1x288xi32, #tpu.memory_space<hbm>>
      %dma_wait3A_92 = tpu.memref_squeeze %dma_wait3A_91 : memref<1x288xi32, #tpu.memory_space<hbm>> -> memref<288xi32, #tpu.memory_space<hbm>>
      %dma_wait3A_93 = arith.constant 0 : i32
      %dma_wait3A_94 = tpu.memref_slice %arg5[%add3A, %dma_wait3A_93] : memref<32x288xi32, #tpu.memory_space<hbm>> -> memref<1x288xi32, #tpu.memory_space<hbm>>
      %dma_wait3A_95 = tpu.memref_squeeze %dma_wait3A_94 : memref<1x288xi32, #tpu.memory_space<hbm>> -> memref<288xi32, #tpu.memory_space<hbm>>
      tpu.wait_dma2 semaphore(%run_scoped3A : memref<!tpu.dma_semaphore, #tpu.memory_space<semaphore_mem>>) src(%arg9 : memref<288xi32, #tpu.memory_space<vmem>>) dst(%dma_wait3A_95 : memref<288xi32, #tpu.memory_space<hbm>>)
      tpu.yield
    }) : () -> ()
    return
  }
}

module attributes {stable_mosaic.version = 14 : i64} {
  func.func @_main_body(%arg0: i32, %arg1: i32, %arg2: memref<1x19x256x512xf32, #tpu.memory_space<vmem>>, %arg3: memref<1x256x512xi32, #tpu.memory_space<vmem>>, %arg4: memref<1x64x128xf32, #tpu.memory_space<vmem>>) attributes {dimension_semantics = [#tpu.dimension_semantics<arbitrary>, #tpu.dimension_semantics<arbitrary>], iteration_bounds = array<i64: 4, 2>, scalar_prefetch = 0 : i64, scratch_operands = 0 : i64, tpu.core_type = #tpu.core_type<tc>, window_params = [{transform_indices = @transform_0, window_bounds = array<i64: 1, 19, 256, 512>}, {transform_indices = @transform_1, window_bounds = array<i64: 1, 256, 512>}, {transform_indices = @transform_2, window_bounds = array<i64: 1, 64, 128>}]} {
    %get3A = arith.constant 0 : index
    %get3A_0 = arith.constant 0 : index
    %get3A_1 = arith.constant 0 : index
    %get3A_2 = arith.constant 0 : index
    %get3A_3 = vector.load %arg2[%get3A, %get3A_0, %get3A_1, %get3A_2] : memref<1x19x256x512xf32, #tpu.memory_space<vmem>>, vector<1x19x256x512xf32>
    %get3A_4 = vector.shape_cast %get3A_3 : vector<1x19x256x512xf32> to vector<19x256x512xf32>
    %get3A_5 = arith.constant 0 : index
    %get3A_6 = arith.constant 0 : index
    %get3A_7 = arith.constant 0 : index
    %get3A_8 = vector.load %arg3[%get3A_5, %get3A_6, %get3A_7] : memref<1x256x512xi32, #tpu.memory_space<vmem>>, vector<1x256x512xi32>
    %get3A_9 = vector.shape_cast %get3A_8 : vector<1x256x512xi32> to vector<256x512xi32>
    %exp3A = math.exp %get3A_4 : vector<19x256x512xf32>
    %reduce_sum3A = arith.constant dense<0.000000e+00> : vector<256x512xf32>
    %reduce_sum3A_10 = vector.multi_reduction <add>, %exp3A, %reduce_sum3A [0] : vector<19x256x512xf32> to vector<256x512xf32>
    %log3A = math.log %reduce_sum3A_10 : vector<256x512xf32>
    %reduce_sum3A_11 = vector.shape_cast %log3A : vector<256x512xf32> to vector<1x256x512xf32>
    %reduce_sum3A_12 = arith.constant dense<0.000000e+00> : vector<1xf32>
    %reduce_sum3A_13 = vector.multi_reduction <add>, %reduce_sum3A_11, %reduce_sum3A_12 [1, 2] : vector<1x256x512xf32> to vector<1xf32>
    %reduce_sum3A_14 = vector.shape_cast %reduce_sum3A_13 : vector<1xf32> to vector<1x1x1xf32>
    %reduce_sum3A_15 = vector.extract %reduce_sum3A_14[0, 0, 0] : f32 from vector<1x1x1xf32>
    %iota3A = tpu.iota {dimensions = array<i32: 0>} : vector<19x256x512xi32>
    %broadcast_in_dim3A = vector.shape_cast %get3A_9 : vector<256x512xi32> to vector<1x256x512xi32>
    %eq3A = vector.broadcast %broadcast_in_dim3A : vector<1x256x512xi32> to vector<19x256x512xi32>
    %eq3A_16 = arith.cmpi eq, %eq3A, %iota3A : vector<19x256x512xi32>
    %convert_element_type3A = arith.extui %eq3A_16 : vector<19x256x512xi1> to vector<19x256x512xi32>
    %convert_element_type3A_17 = arith.sitofp %convert_element_type3A : vector<19x256x512xi32> to vector<19x256x512xf32>
    %mul3A = arith.mulf %get3A_4, %convert_element_type3A_17 : vector<19x256x512xf32>
    %reduce_sum3A_18 = arith.constant dense<0.000000e+00> : vector<19x256xf32>
    %reduce_sum3A_19 = vector.multi_reduction <add>, %mul3A, %reduce_sum3A_18 [2] : vector<19x256x512xf32> to vector<19x256xf32>
    %reduce_sum3A_20 = arith.constant dense<0.000000e+00> : vector<19xf32>
    %reduce_sum3A_21 = vector.multi_reduction <add>, %reduce_sum3A_19, %reduce_sum3A_20 [1] : vector<19x256xf32> to vector<19xf32>
    %broadcast_in_dim3A_22 = vector.shape_cast %reduce_sum3A_21 : vector<19xf32> to vector<19x1xf32>
    %slice3A = vector.extract_strided_slice %get3A_4 {offsets = [0, 0, 0], sizes = [1, 256, 512], strides = [1, 1, 1]} : vector<19x256x512xf32> to vector<1x256x512xf32>
    %mul3A_23 = vector.broadcast %slice3A : vector<1x256x512xf32> to vector<19x256x512xf32>
    %mul3A_24 = arith.mulf %mul3A_23, %convert_element_type3A_17 : vector<19x256x512xf32>
    %reduce_sum3A_25 = arith.constant dense<0.000000e+00> : vector<19x256xf32>
    %reduce_sum3A_26 = vector.multi_reduction <add>, %mul3A_24, %reduce_sum3A_25 [2] : vector<19x256x512xf32> to vector<19x256xf32>
    %reduce_sum3A_27 = arith.constant dense<0.000000e+00> : vector<19xf32>
    %reduce_sum3A_28 = vector.multi_reduction <add>, %reduce_sum3A_26, %reduce_sum3A_27 [1] : vector<19x256xf32> to vector<19xf32>
    %broadcast_in_dim3A_29 = vector.shape_cast %reduce_sum3A_28 : vector<19xf32> to vector<19x1xf32>
    %broadcast_in_dim3A_30 = vector.shape_cast %broadcast_in_dim3A_22 : vector<19x1xf32> to vector<19x1xf32>
    %broadcast_in_dim3A_31 = vector.broadcast %broadcast_in_dim3A_30 : vector<19x1xf32> to vector<19x128xf32>
    %broadcast_in_dim3A_32 = vector.shape_cast %broadcast_in_dim3A_29 : vector<19x1xf32> to vector<19x1xf32>
    %broadcast_in_dim3A_33 = vector.broadcast %broadcast_in_dim3A_32 : vector<19x1xf32> to vector<19x128xf32>
    %broadcast_in_dim3A_34 = vector.broadcast %reduce_sum3A_15 : f32 to vector<26x128xf32>
    %concatenate3A = tpu.concatenate %broadcast_in_dim3A_31, %broadcast_in_dim3A_33, %broadcast_in_dim3A_34 in 0 : vector<19x128xf32>, vector<19x128xf32>, vector<26x128xf32> -> vector<64x128xf32>
    %swap3A = arith.constant 0 : index
    %swap3A_35 = arith.constant 0 : index
    %swap3A_36 = arith.constant 0 : index
    %swap3A_37 = vector.load %arg4[%swap3A, %swap3A_35, %swap3A_36] : memref<1x64x128xf32, #tpu.memory_space<vmem>>, vector<1x64x128xf32>
    %swap3A_38 = vector.shape_cast %swap3A_37 : vector<1x64x128xf32> to vector<64x128xf32>
    %swap3A_39 = vector.shape_cast %concatenate3A : vector<64x128xf32> to vector<1x64x128xf32>
    tpu.vector_store %arg4[%swap3A, %swap3A_35, %swap3A_36], %swap3A_39 {strides = array<i32>} : memref<1x64x128xf32, #tpu.memory_space<vmem>>, vector<1x64x128xf32>,
    return
  }
  func.func @transform_0(%arg0: i32, %arg1: i32) -> (i32, i32, i32, i32) {
    %c0_i32 = arith.constant 0 : i32
    %c0_i32_0 = arith.constant 0 : i32
    %c0_i32_1 = arith.constant 0 : i32
    return %arg0, %c0_i32, %arg1, %c0_i32_0 : i32, i32, i32, i32
  }
  func.func @transform_1(%arg0: i32, %arg1: i32) -> (i32, i32, i32) {
    %c0_i32 = arith.constant 0 : i32
    %c0_i32_0 = arith.constant 0 : i32
    return %arg0, %arg1, %c0_i32 : i32, i32, i32
  }
  func.func @transform_2(%arg0: i32, %arg1: i32) -> (i32, i32, i32) {
    %mul3A = arith.constant 2 : i32
    %mul3A_0 = arith.muli %arg0, %mul3A : i32
    %add3A = arith.addi %mul3A_0, %arg1 : i32
    %c0_i32 = arith.constant 0 : i32
    %c0_i32_1 = arith.constant 0 : i32
    %c0_i32_2 = arith.constant 0 : i32
    return %add3A, %c0_i32, %c0_i32_1 : i32, i32, i32
  }
}

module attributes {stable_mosaic.version = 14 : i64} {
  func.func @_combine_body(%arg0: i32, %arg1: memref<8x64x128xf32, #tpu.memory_space<vmem>>, %arg2: memref<1x19x8x512xf32, #tpu.memory_space<vmem>>, %arg3: memref<1x8x512xi32, #tpu.memory_space<vmem>>, %arg4: memref<512x128xf32, #tpu.memory_space<vmem>>, %arg5: memref<512x128xf32, #tpu.memory_space<vmem>>, %arg6: memref<1x19xf32, #tpu.memory_space<vmem>>, %arg7: memref<32x288xi32, #tpu.memory_space<vmem>>, %arg8: memref<288x128xf32, #tpu.memory_space<vmem>>, %arg9: memref<1x1xf32, #tpu.memory_space<vmem>>) attributes {dimension_semantics = [#tpu.dimension_semantics<arbitrary>], iteration_bounds = array<i64: 1>, scalar_prefetch = 0 : i64, scratch_operands = 0 : i64, tpu.core_type = #tpu.core_type<tc>, window_params = [{pipeline_mode = #tpu.pipeline_mode<synchronous>, transform_indices = @transform_0, window_bounds = array<i64: 8, 64, 128>}, {transform_indices = @transform_1, window_bounds = array<i64: 1, 19, 8, 512>}, {transform_indices = @transform_2, window_bounds = array<i64: 1, 8, 512>}, {pipeline_mode = #tpu.pipeline_mode<synchronous>, transform_indices = @transform_3, window_bounds = array<i64: 512, 128>}, {pipeline_mode = #tpu.pipeline_mode<synchronous>, transform_indices = @transform_4, window_bounds = array<i64: 512, 128>}, {pipeline_mode = #tpu.pipeline_mode<synchronous>, transform_indices = @transform_5, window_bounds = array<i64: 1, 19>}, {pipeline_mode = #tpu.pipeline_mode<synchronous>, transform_indices = @transform_6, window_bounds = array<i64: 32, 288>}, {pipeline_mode = #tpu.pipeline_mode<synchronous>, transform_indices = @transform_7, window_bounds = array<i64: 288, 128>}, {pipeline_mode = #tpu.pipeline_mode<synchronous>, transform_indices = @transform_8, window_bounds = array<i64: 1, 1>}]} {
    %get3A = arith.constant 0 : index
    %get3A_0 = arith.constant 0 : index
    %get3A_1 = arith.constant 0 : index
    %get3A_2 = vector.load %arg1[%get3A, %get3A_0, %get3A_1] : memref<8x64x128xf32, #tpu.memory_space<vmem>>, vector<8x64x128xf32>
    %reduce_sum3A = arith.constant dense<0.000000e+00> : vector<64x128xf32>
    %reduce_sum3A_3 = vector.multi_reduction <add>, %get3A_2, %reduce_sum3A [0] : vector<8x64x128xf32> to vector<64x128xf32>
    %slice3A = vector.extract_strided_slice %reduce_sum3A_3 {offsets = [0, 0], sizes = [64, 1], strides = [1, 1]} : vector<64x128xf32> to vector<64x1xf32>
    %slice3A_4 = vector.extract_strided_slice %slice3A {offsets = [0, 0], sizes = [19, 1], strides = [1, 1]} : vector<64x1xf32> to vector<19x1xf32>
    %slice3A_5 = vector.extract_strided_slice %slice3A {offsets = [19, 0], sizes = [19, 1], strides = [1, 1]} : vector<64x1xf32> to vector<19x1xf32>
    %slice3A_6 = vector.extract_strided_slice %slice3A {offsets = [38, 0], sizes = [1, 1], strides = [1, 1]} : vector<64x1xf32> to vector<1x1xf32>
    %squeeze3A = vector.extract %slice3A_6[0, 0] : f32 from vector<1x1xf32>
    %iota3A = tpu.iota {dimensions = array<i32: 0>} : vector<19x19xi32>
    %iota3A_7 = tpu.iota {dimensions = array<i32: 1>} : vector<19x19xi32>
    %eq3A = arith.cmpi eq, %iota3A, %iota3A_7 : vector<19x19xi32>
    %convert_element_type3A = arith.extui %eq3A : vector<19x19xi1> to vector<19x19xi32>
    %convert_element_type3A_8 = arith.sitofp %convert_element_type3A : vector<19x19xi32> to vector<19x19xf32>
    %get3A_9 = arith.constant 0 : index
    %get3A_10 = arith.constant 0 : index
    %get3A_11 = vector.load %arg7[%get3A_9, %get3A_10] : memref<32x288xi32, #tpu.memory_space<vmem>>, vector<32x288xi32>
    %convert_element_type3A_12 = arith.sitofp %get3A_11 : vector<32x288xi32> to vector<32x288xf32>
    %reduce_sum3A_13 = arith.constant dense<0.000000e+00> : vector<288xf32>
    %reduce_sum3A_14 = vector.multi_reduction <add>, %convert_element_type3A_12, %reduce_sum3A_13 [0] : vector<32x288xf32> to vector<288xf32>
    %broadcast_in_dim3A = vector.shape_cast %reduce_sum3A_14 : vector<288xf32> to vector<1x288xf32>
    %get3A_15 = arith.constant 0 : index
    %get3A_16 = arith.constant 0 : index
    %get3A_17 = vector.load %arg8[%get3A_15, %get3A_16] : memref<288x128xf32, #tpu.memory_space<vmem>>, vector<288x128xf32>
    %dot_general3A = arith.constant dense<0.000000e+00> : vector<1x128xf32>
    %dot_general3A_18 = tpu.matmul %broadcast_in_dim3A, %get3A_17, %dot_general3A {dimension_numbers = #tpu.dot_dimension_numbers<[1], [0], [0], [1], [0, 0, 1, 1], [], []>, precision = #tpu.contract_precision<fp32>, transpose_lhs_hint = false} : vector<1x288xf32>, vector<288x128xf32>, vector<1x128xf32> -> vector<1x128xf32>
    %slice3A_19 = vector.extract_strided_slice %dot_general3A_18 {offsets = [0, 0], sizes = [1, 19], strides = [1, 1]} : vector<1x128xf32> to vector<1x19xf32>
    %mul3A = vector.broadcast %slice3A_19 : vector<1x19xf32> to vector<19x19xf32>
    %mul3A_20 = arith.mulf %convert_element_type3A_8, %mul3A : vector<19x19xf32>
    %reduce_sum3A_21 = arith.constant dense<0.000000e+00> : vector<19xf32>
    %reduce_sum3A_22 = vector.multi_reduction <add>, %mul3A_20, %reduce_sum3A_21 [1] : vector<19x19xf32> to vector<19xf32>
    %broadcast_in_dim3A_23 = vector.shape_cast %reduce_sum3A_22 : vector<19xf32> to vector<19x1xf32>
    %get3A_24 = arith.constant 0 : index
    %get3A_25 = arith.constant 0 : index
    %get3A_26 = arith.constant 0 : index
    %get3A_27 = arith.constant 0 : index
    %get3A_28 = vector.load %arg2[%get3A_24, %get3A_25, %get3A_26, %get3A_27] : memref<1x19x8x512xf32, #tpu.memory_space<vmem>>, vector<1x19x1x512xf32>
    %get3A_29 = vector.shape_cast %get3A_28 : vector<1x19x1x512xf32> to vector<19x512xf32>
    %get3A_30 = arith.constant 0 : index
    %get3A_31 = arith.constant 0 : index
    %get3A_32 = arith.constant 0 : index
    %get3A_33 = vector.load %arg3[%get3A_30, %get3A_31, %get3A_32] : memref<1x8x512xi32, #tpu.memory_space<vmem>>, vector<1x1x512xi32>
    %get3A_34 = vector.shape_cast %get3A_33 : vector<1x1x512xi32> to vector<1x512xi32>
    %convert_element_type3A_35 = arith.sitofp %get3A_34 : vector<1x512xi32> to vector<1x512xf32>
    %get3A_36 = arith.constant 0 : index
    %get3A_37 = arith.constant 0 : index
    %get3A_38 = vector.load %arg4[%get3A_36, %get3A_37] : memref<512x128xf32, #tpu.memory_space<vmem>>, vector<512x128xf32>
    %dot_general3A_39 = arith.constant dense<0.000000e+00> : vector<19x128xf32>
    %dot_general3A_40 = tpu.matmul %get3A_29, %get3A_38, %dot_general3A_39 {dimension_numbers = #tpu.dot_dimension_numbers<[1], [0], [0], [1], [0, 0, 1, 1], [], []>, transpose_lhs_hint = false} : vector<19x512xf32>, vector<512x128xf32>, vector<19x128xf32> -> vector<19x128xf32>
    %get3A_41 = arith.constant 0 : index
    %get3A_42 = arith.constant 0 : index
    %get3A_43 = vector.load %arg5[%get3A_41, %get3A_42] : memref<512x128xf32, #tpu.memory_space<vmem>>, vector<512x128xf32>
    %dot_general3A_44 = arith.constant dense<0.000000e+00> : vector<1x128xf32>
    %dot_general3A_45 = tpu.matmul %convert_element_type3A_35, %get3A_43, %dot_general3A_44 {dimension_numbers = #tpu.dot_dimension_numbers<[1], [0], [0], [1], [0, 0, 1, 1], [], []>, transpose_lhs_hint = false} : vector<1x512xf32>, vector<512x128xf32>, vector<1x128xf32> -> vector<1x128xf32>
    %reduce_max3A = arith.constant dense<0xFF800000> : vector<128xf32>
    %reduce_max3A_46 = vector.multi_reduction <maximumf>, %dot_general3A_40, %reduce_max3A [0] : vector<19x128xf32> to vector<128xf32>
    %broadcast_in_dim3A_47 = vector.shape_cast %reduce_max3A_46 : vector<128xf32> to vector<1x128xf32>
    %sub3A = vector.broadcast %broadcast_in_dim3A_47 : vector<1x128xf32> to vector<19x128xf32>
    %sub3A_48 = arith.subf %dot_general3A_40, %sub3A : vector<19x128xf32>
    %exp3A = math.exp %sub3A_48 : vector<19x128xf32>
    %reduce_sum3A_49 = arith.constant dense<0.000000e+00> : vector<128xf32>
    %reduce_sum3A_50 = vector.multi_reduction <add>, %exp3A, %reduce_sum3A_49 [0] : vector<19x128xf32> to vector<128xf32>
    %broadcast_in_dim3A_51 = vector.shape_cast %reduce_sum3A_50 : vector<128xf32> to vector<1x128xf32>
    %div3A = vector.broadcast %broadcast_in_dim3A_51 : vector<1x128xf32> to vector<19x128xf32>
    %div3A_52 = arith.divf %exp3A, %div3A : vector<19x128xf32>
    %iota3A_53 = tpu.iota {dimensions = array<i32: 0>} : vector<19x128xi32>
    %convert_element_type3A_54 = arith.fptosi %dot_general3A_45 : vector<1x128xf32> to vector<1x128xi32>
    %eq3A_55 = vector.broadcast %convert_element_type3A_54 : vector<1x128xi32> to vector<19x128xi32>
    %eq3A_56 = arith.cmpi eq, %iota3A_53, %eq3A_55 : vector<19x128xi32>
    %convert_element_type3A_57 = arith.extui %eq3A_56 : vector<19x128xi1> to vector<19x128xi32>
    %convert_element_type3A_58 = arith.sitofp %convert_element_type3A_57 : vector<19x128xi32> to vector<19x128xf32>
    %mul3A_59 = arith.mulf %div3A_52, %convert_element_type3A_58 : vector<19x128xf32>
    %reduce_sum3A_60 = arith.constant dense<0.000000e+00> : vector<128xf32>
    %reduce_sum3A_61 = vector.multi_reduction <add>, %mul3A_59, %reduce_sum3A_60 [0] : vector<19x128xf32> to vector<128xf32>
    %broadcast_in_dim3A_62 = vector.shape_cast %reduce_sum3A_61 : vector<128xf32> to vector<1x128xf32>
    %slice3A_63 = vector.extract_strided_slice %broadcast_in_dim3A_62 {offsets = [0, 0], sizes = [1, 19], strides = [1, 1]} : vector<1x128xf32> to vector<1x19xf32>
    %slice3A_64 = vector.extract_strided_slice %broadcast_in_dim3A_62 {offsets = [0, 19], sizes = [1, 19], strides = [1, 1]} : vector<1x128xf32> to vector<1x19xf32>
    %slice3A_65 = vector.extract_strided_slice %broadcast_in_dim3A_62 {offsets = [0, 38], sizes = [1, 19], strides = [1, 1]} : vector<1x128xf32> to vector<1x19xf32>
    %get3A_66 = arith.constant 0 : index
    %get3A_67 = arith.constant 0 : index
    %get3A_68 = vector.load %arg6[%get3A_66, %get3A_67] : memref<1x19xf32, #tpu.memory_space<vmem>>, vector<1x19xf32>
    %sub3A_69 = arith.constant 1.000000e+00 : f32
    %sub3A_70 = vector.broadcast %sub3A_69 : f32 to vector<1x19xf32>
    %sub3A_71 = arith.subf %sub3A_70, %get3A_68 : vector<1x19xf32>
    %mul3A_72 = arith.mulf %slice3A_64, %sub3A_71 : vector<1x19xf32>
    %mul3A_73 = arith.mulf %slice3A_65, %get3A_68 : vector<1x19xf32>
    %add3A = arith.addf %mul3A_72, %mul3A_73 : vector<1x19xf32>
    %mul3A_74 = vector.broadcast %add3A : vector<1x19xf32> to vector<19x19xf32>
    %mul3A_75 = arith.mulf %convert_element_type3A_8, %mul3A_74 : vector<19x19xf32>
    %reduce_sum3A_76 = arith.constant dense<0.000000e+00> : vector<19xf32>
    %reduce_sum3A_77 = vector.multi_reduction <add>, %mul3A_75, %reduce_sum3A_76 [1] : vector<19x19xf32> to vector<19xf32>
    %broadcast_in_dim3A_78 = vector.shape_cast %reduce_sum3A_77 : vector<19xf32> to vector<19x1xf32>
    %le3A = vector.broadcast %broadcast_in_dim3A_78 : vector<19x1xf32> to vector<19x19xf32>
    %le3A_79 = vector.broadcast %add3A : vector<1x19xf32> to vector<19x19xf32>
    %le3A_80 = arith.cmpf ole, %le3A, %le3A_79 : vector<19x19xf32>
    %convert_element_type3A_81 = arith.extui %le3A_80 : vector<19x19xi1> to vector<19x19xi32>
    %convert_element_type3A_82 = arith.sitofp %convert_element_type3A_81 : vector<19x19xi32> to vector<19x19xf32>
    %mul3A_83 = vector.broadcast %broadcast_in_dim3A_23 : vector<19x1xf32> to vector<19x19xf32>
    %mul3A_84 = arith.mulf %convert_element_type3A_82, %mul3A_83 : vector<19x19xf32>
    %reduce_sum3A_85 = arith.constant dense<0.000000e+00> : vector<19xf32>
    %reduce_sum3A_86 = vector.multi_reduction <add>, %mul3A_84, %reduce_sum3A_85 [0] : vector<19x19xf32> to vector<19xf32>
    %broadcast_in_dim3A_87 = vector.shape_cast %reduce_sum3A_86 : vector<19xf32> to vector<1x19xf32>
    %iota3A_88 = tpu.iota {dimensions = array<i32: 1>} : vector<1x19xi32>
    %ge3A = arith.constant 1.562000e+03 : f32
    %ge3A_89 = vector.broadcast %ge3A : f32 to vector<1x19xf32>
    %ge3A_90 = arith.cmpf oge, %broadcast_in_dim3A_87, %ge3A_89 : vector<1x19xf32>
    %ge3A_91 = arith.constant 1 : i32
    %ge3A_92 = vector.broadcast %ge3A_91 : i32 to vector<1x19xi32>
    %ge3A_93 = arith.cmpi sge, %iota3A_88, %ge3A_92 : vector<1x19xi32>
    %and3A = arith.andi %ge3A_90, %ge3A_93 : vector<1x19xi1>
    %gt3A = arith.constant 0.000000e+00 : f32
    %gt3A_94 = vector.broadcast %gt3A : f32 to vector<1x19xf32>
    %gt3A_95 = arith.cmpf ogt, %slice3A_19, %gt3A_94 : vector<1x19xf32>
    %and3A_96 = arith.andi %and3A, %gt3A_95 : vector<1x19xi1>
    %jit3A = arith.constant 2.000000e+00 : f32
    %broadcast_in_dim3A_97 = vector.broadcast %jit3A : f32 to vector<1x19xf32>
    %select_n3A = arith.select %and3A_96, %add3A, %broadcast_in_dim3A_97 : vector<1x19xi1>, vector<1x19xf32>
    %reduce_min3A = vector.shape_cast %select_n3A : vector<1x19xf32> to vector<1x1x19xf32>
    %reduce_min3A_98 = arith.constant dense<0x7F800000> : vector<1xf32>
    %reduce_min3A_99 = vector.multi_reduction <minimumf>, %reduce_min3A, %reduce_min3A_98 [1, 2] : vector<1x1x19xf32> to vector<1xf32>
    %reduce_min3A_100 = vector.shape_cast %reduce_min3A_99 : vector<1xf32> to vector<1x1x1xf32>
    %reduce_min3A_101 = vector.extract %reduce_min3A_100[0, 0, 0] : f32 from vector<1x1x1xf32>
    %gt3A_102 = arith.constant 0.699999988 : f32
    %gt3A_103 = arith.cmpf ogt, %reduce_min3A_101, %gt3A_102 : f32
    %jit3A_104 = arith.constant 0.699999988 : f32
    %select_n3A_105 = arith.select %gt3A_103, %reduce_min3A_101, %jit3A_104 : f32
    %mul3A_106 = vector.broadcast %slice3A_63 : vector<1x19xf32> to vector<19x19xf32>
    %mul3A_107 = arith.mulf %convert_element_type3A_8, %mul3A_106 : vector<19x19xf32>
    %reduce_sum3A_108 = arith.constant dense<0.000000e+00> : vector<19xf32>
    %reduce_sum3A_109 = vector.multi_reduction <add>, %mul3A_107, %reduce_sum3A_108 [1] : vector<19x19xf32> to vector<19xf32>
    %broadcast_in_dim3A_110 = vector.shape_cast %reduce_sum3A_109 : vector<19xf32> to vector<19x1xf32>
    %le3A_111 = vector.broadcast %select_n3A_105 : f32 to vector<19x1xf32>
    %le3A_112 = arith.cmpf ole, %broadcast_in_dim3A_110, %le3A_111 : vector<19x1xf32>
    %iota3A_113 = tpu.iota {dimensions = array<i32: 0>} : vector<19x1xi32>
    %ge3A_114 = arith.constant 1 : i32
    %ge3A_115 = vector.broadcast %ge3A_114 : i32 to vector<19x1xi32>
    %ge3A_116 = arith.cmpi sge, %iota3A_113, %ge3A_115 : vector<19x1xi32>
    %select_n3A_117 = arith.select %le3A_112, %slice3A_4, %slice3A_5 : vector<19x1xi1>, vector<19x1xf32>
    %jit3A_118 = arith.constant 0.000000e+00 : f32
    %broadcast_in_dim3A_119 = vector.broadcast %jit3A_118 : f32 to vector<19x1xf32>
    %select_n3A_120 = arith.select %ge3A_116, %select_n3A_117, %broadcast_in_dim3A_119 : vector<19x1xi1>, vector<19x1xf32>
    %reduce_sum3A_121 = vector.shape_cast %select_n3A_120 : vector<19x1xf32> to vector<1x19x1xf32>
    %reduce_sum3A_122 = arith.constant dense<0.000000e+00> : vector<1xf32>
    %reduce_sum3A_123 = vector.multi_reduction <add>, %reduce_sum3A_121, %reduce_sum3A_122 [1, 2] : vector<1x19x1xf32> to vector<1xf32>
    %reduce_sum3A_124 = vector.shape_cast %reduce_sum3A_123 : vector<1xf32> to vector<1x1x1xf32>
    %reduce_sum3A_125 = vector.extract %reduce_sum3A_124[0, 0, 0] : f32 from vector<1x1x1xf32>
    %sub3A_126 = arith.subf %squeeze3A, %reduce_sum3A_125 : f32
    %mul3A_127 = arith.constant 9.53674316E-7 : f32
    %mul3A_128 = arith.mulf %sub3A_126, %mul3A_127 : f32
    %broadcast_in_dim3A_129 = vector.broadcast %mul3A_128 : f32 to vector<1x1xf32>
    %swap3A = arith.constant 0 : index
    %swap3A_130 = arith.constant 0 : index
    %swap3A_131 = vector.load %arg9[%swap3A, %swap3A_130] : memref<1x1xf32, #tpu.memory_space<vmem>>, vector<1x1xf32>
    tpu.vector_store %arg9[%swap3A, %swap3A_130], %broadcast_in_dim3A_129 {strides = array<i32>} : memref<1x1xf32, #tpu.memory_space<vmem>>, vector<1x1xf32>,
    return
  }
  func.func @transform_0(%arg0: i32) -> (i32, i32, i32) {
    %c0_i32 = arith.constant 0 : i32
    %c0_i32_0 = arith.constant 0 : i32
    %c0_i32_1 = arith.constant 0 : i32
    %c0_i32_2 = arith.constant 0 : i32
    return %c0_i32, %c0_i32_0, %c0_i32_1 : i32, i32, i32
  }
  func.func @transform_1(%arg0: i32) -> (i32, i32, i32, i32) {
    %c0_i32 = arith.constant 0 : i32
    %c0_i32_0 = arith.constant 0 : i32
    %c0_i32_1 = arith.constant 0 : i32
    %c0_i32_2 = arith.constant 0 : i32
    %c0_i32_3 = arith.constant 0 : i32
    return %c0_i32, %c0_i32_0, %c0_i32_1, %c0_i32_2 : i32, i32, i32, i32
  }
  func.func @transform_2(%arg0: i32) -> (i32, i32, i32) {
    %c0_i32 = arith.constant 0 : i32
    %c0_i32_0 = arith.constant 0 : i32
    %c0_i32_1 = arith.constant 0 : i32
    %c0_i32_2 = arith.constant 0 : i32
    return %c0_i32, %c0_i32_0, %c0_i32_1 : i32, i32, i32
  }
  func.func @transform_3(%arg0: i32) -> (i32, i32) {
    %c0_i32 = arith.constant 0 : i32
    %c0_i32_0 = arith.constant 0 : i32
    %c0_i32_1 = arith.constant 0 : i32
    return %c0_i32, %c0_i32_0 : i32, i32
  }
  func.func @transform_4(%arg0: i32) -> (i32, i32) {
    %c0_i32 = arith.constant 0 : i32
    %c0_i32_0 = arith.constant 0 : i32
    %c0_i32_1 = arith.constant 0 : i32
    return %c0_i32, %c0_i32_0 : i32, i32
  }
  func.func @transform_5(%arg0: i32) -> (i32, i32) {
    %c0_i32 = arith.constant 0 : i32
    %c0_i32_0 = arith.constant 0 : i32
    %c0_i32_1 = arith.constant 0 : i32
    return %c0_i32, %c0_i32_0 : i32, i32
  }
  func.func @transform_6(%arg0: i32) -> (i32, i32) {
    %c0_i32 = arith.constant 0 : i32
    %c0_i32_0 = arith.constant 0 : i32
    %c0_i32_1 = arith.constant 0 : i32
    return %c0_i32, %c0_i32_0 : i32, i32
  }
  func.func @transform_7(%arg0: i32) -> (i32, i32) {
    %c0_i32 = arith.constant 0 : i32
    %c0_i32_0 = arith.constant 0 : i32
    %c0_i32_1 = arith.constant 0 : i32
    return %c0_i32, %c0_i32_0 : i32, i32
  }
  func.func @transform_8(%arg0: i32) -> (i32, i32) {
    %c0_i32 = arith.constant 0 : i32
    %c0_i32_0 = arith.constant 0 : i32
    %c0_i32_1 = arith.constant 0 : i32
    return %c0_i32, %c0_i32_0 : i32, i32
  }
}

</mosaic_0001>

<sc_bundles>
// kernel: kernel.5.cloned.1.call-start
scs
__scs_entry_jumppad:
0x0: {  	(pc) =	sbr.rel $0x88, $3  }
0x1: {  	(tag) =	ssettag $0x0;
	lr =	simm.s32 $0x1  }
0x2: {  	[smem:$0x3F9F] =	sst lr;
	_ =	strace $0xD0000000  }
0x3: {  	_ = 	snop  }
0x4: {  	_ = 	snop  }
0x5: {  	_ = 	snop  }
0x6: {  	_ = 	snop  }
0x7: {  	_ = 	snop  }
__scs_overlays_trampoline_lowered:
0x8: {  	[smem:$0x3FAE] =	sst s0  }
0x9: {  	[smem:$0x3FAF] =	sst s1  }
0xa: {  	[smem:$0x3FB0] =	sst s2  }
0xb: {  	[smem:$0x3FB1] =	sst s3  }
0xc: {  	[smem:$0x3FB2] =	sst s4  }
0xd: {  	[smem:$0x3FB3] =	sst s5  }
0xe: {  	[smem:$0x3FB4] =	sst s6  }
0xf: {  	[smem:$0x3FB5] =	sst s7  }
0x10: {  	[smem:$0x3FB6] =	sst s8  }
0x11: {  	[smem:$0x3FB7] =	sst s9;
	s0 =	simm.s32 @!p0 $0x0  }
0x12: {  	s1 =	sld [smem:$0x3F9D];
	s0 =	simm.s32 @p0 $0x1  }
0x13: {  	[smem:$0x3FB8] =	sst s0;
	s0 =	simm.s32 @!p1 $0x0  }
0x14: {  	s2 =	sld [smem:$0x3F9C];
	s0 =	simm.s32 @p1 $0x1  }
0x15: {  	[smem:$0x3FB9] =	sst s0;
	s0 =	simm.s32 @!p2 $0x0  }
0x16: {  	s3 =	sld [smem:$0x3FDB];
	s0 =	simm.s32 @p2 $0x1  }
0x17: {  	s4 =	simm.s32 $0x1BF5;
	[smem:$0x3FBB] =	sst s0  }
0x18: {  	s0 =	sld [smem:$0x3F9E];
	_ =	swait.ge [sflag:s4], $0x0  }
0x19: {  	s7 =	sld [smem:$0x3F9F]  }
0x1a: {  	s8 =	sadd.s32 $0xFFFFE003, lr  }
0x1b: {  	s9 =	sadd.s32 $0xFFFFFEF7, lr;
	s5 =	simm.s32 $0xFFFFFFFF;
	p2 =	slt.u32 s8, $0xFFFFF086  }
0x1c: {  	p1 =	slt.u32 s9, $0xF7A;
	s5 =	simm.s32 @!p2 $0x0  }
0x1d: {  	s5 =	simm.s32 @p1 $0x1;
	p0 =	seq.s32 s7, s2  }
0x1e: {  	s7 =	smul.u32 @!p0 $0xF7A, s2;
	p2 =	seq.s32 @!p0 s5, $0x0  }
0x1f: {  	s9 =	smul.u32 $0xF7A, s1;
	s8 =	simm.s32 @!p0 $0x1BF5;
	p2 =	por !p2, p0  }
0x20: {  	[sflag:s8] =	ssyncset.s32 @!p0 $0xFFFFF086;
	s6 =	sadd.s32 @!p0 s3, s7;
	s7 =	simm.s32 @!p0 $0x108  }
0x21: {  	s3 =	sadd.s32 s3, s9;
	s6 =	sadd.s32 @!p0 $0x88, s6;
	s7 =	simm.s32 @p2 $0x1082  }
0x22: {  	[simem:s7], [sflag:s8] =	dma.local @!p0 [hbm:s6], $0xF7A  }
0x23: {  	s9 =	sor.u32 $0xD0000000, s2;
	s6 =	simm.s32 $0x108;
	_ =	swait.ge @!p0 [sflag:s8], $0x0  }
0x24: {  	s3 =	sadd.s32 $0x88, s3;
	s6 =	simm.s32 @!p1 $0x1082;
	[sflag:s4] =	ssyncset.s32 $0xFFFFF086  }
0x25: {  	[simem:s6], [sflag:s4] =	dma.local [hbm:s3], $0xF7A  }
0x26: {  	[smem:$0x3F9F] =	sst s1;
	(tag) =	ssettag s2;
	_ =	strace s9  }
0x27: {  	s1 =	sld [smem:$0x3FAF]  }
0x28: {  	s2 =	sld [smem:$0x3FB0]  }
0x29: {  	s4 =	sld [smem:$0x3FB2]  }
0x2a: {  	p0 =	seq.s32 s5, $0x0;
	s5 =	sld [smem:$0x3FB3]  }
0x2b: {  	s6 =	sld [smem:$0x3FB4]  }
0x2c: {  	s7 =	sld [smem:$0x3FB5]  }
0x2d: {  	s3 =	simm.s32 $0x108;
	s8 =	sld [smem:$0x3FB6]  }
0x2e: {  	s3 =	simm.s32 @!p0 $0x1082;
	s9 =	sld [smem:$0x3FB7]  }
0x2f: {  	lr =	sadd.s32 s0, s3;
	s0 =	sld [smem:$0x3FAE]  }
0x30: {  	s3 =	sld [smem:$0x3FB1]  }
0x31: {  	[smem:$0x3FBA] =	sst s10  }
0x32: {  	s10 =	sld [smem:$0x3FB8];
	_ =	sdelay $0x3  }
0x33: {  	p0 =	seq.s32 s10, $0x1;
	s10 =	sld [smem:$0x3FBA];
	_ =	sdelay $0x3  }
0x34: {  	[smem:$0x3FBA] =	sst s10  }
0x35: {  	s10 =	sld [smem:$0x3FB9];
	_ =	sdelay $0x3  }
0x36: {  	p1 =	seq.s32 s10, $0x1;
	s10 =	sld [smem:$0x3FBA];
	_ =	sdelay $0x3  }
0x37: {  	[smem:$0x3FBA] =	sst s10  }
0x38: {  	s10 =	sld [smem:$0x3FBB]  }
0x39: {  	_ = 	snop;
	(pc) =	sbr.ind lr, $3  }
0x3a: {  	_ = 	snop  }
0x3b: {  	_ = 	snop  }
0x3c: {  	p2 =	seq.s32 s10, $0x1;
	s10 =	sld [smem:$0x3FBA]  }
0x3d: {  	_ =	shalt  }
0x3e: {  	_ =	shalt  }
0x3f: {  	_ =	shalt  }
0x40: {  	_ =	shalt  }
0x41: {  	_ =	shalt  }
0x42: {  	_ =	shalt  }
0x43: {  	_ =	shalt  }
0x44: {  	_ =	shalt  }
0x45: {  	_ =	shalt  }
0x46: {  	_ =	shalt  }
0x47: {  	_ =	shalt  }
0x48: {  	_ =	shalt  }
0x49: {  	_ =	shalt  }
0x4a: {  	_ =	shalt  }
0x4b: {  	_ =	shalt  }
0x4c: {  	_ =	shalt  }
0x4d: {  	_ =	shalt  }
0x4e: {  	_ =	shalt  }
0x4f: {  	_ =	shalt  }
0x50: {  	_ =	shalt  }
0x51: {  	_ =	shalt  }
0x52: {  	_ =	shalt  }
0x53: {  	_ =	shalt  }
0x54: {  	_ =	shalt  }
0x55: {  	_ =	shalt  }
0x56: {  	_ =	shalt  }
0x57: {  	_ =	shalt  }
0x58: {  	_ =	shalt  }
0x59: {  	_ =	shalt  }
0x5a: {  	_ =	shalt  }
0x5b: {  	_ =	shalt  }
0x5c: {  	_ =	shalt  }
0x5d: {  	_ =	shalt  }
0x5e: {  	_ =	shalt  }
0x5f: {  	_ =	shalt  }
0x60: {  	_ =	shalt  }
0x61: {  	_ =	shalt  }
0x62: {  	_ =	shalt  }
0x63: {  	_ =	shalt  }
0x64: {  	_ =	shalt  }
0x65: {  	_ =	shalt  }
0x66: {  	_ =	shalt  }
0x67: {  	_ =	shalt  }
0x68: {  	_ =	shalt  }
0x69: {  	_ =	shalt  }
0x6a: {  	_ =	shalt  }
0x6b: {  	_ =	shalt  }
0x6c: {  	_ =	shalt  }
0x6d: {  	_ =	shalt  }
0x6e: {  	_ =	shalt  }
0x6f: {  	_ =	shalt  }
0x70: {  	_ =	shalt  }
0x71: {  	_ =	shalt  }
0x72: {  	_ =	shalt  }
0x73: {  	_ =	shalt  }
0x74: {  	_ =	shalt  }
0x75: {  	_ =	shalt  }
0x76: {  	_ =	shalt  }
0x77: {  	_ =	shalt  }
0x78: {  	_ =	shalt  }
0x79: {  	_ =	shalt  }
0x7a: {  	_ =	shalt  }
0x7b: {  	_ =	shalt  }
0x7c: {  	_ =	shalt  }
0x7d: {  	_ =	shalt  }
0x7e: {  	_ =	shalt  }
0x7f: {  	_ =	shalt  }
0x80: {  	_ =	shalt  }
0x81: {  	_ =	shalt  }
0x82: {  	_ =	shalt  }
0x83: {  	_ =	shalt  }
0x84: {  	_ =	shalt  }
0x85: {  	_ =	shalt  }
0x86: {  	_ =	shalt  }
0x87: {  	_ =	shalt  }
.Lfunc_end0:
.L_simem_size_0:
called_computation_lowered:
.L_overlay_start_0:
0x88: {  	s2 =	sld [smem:$0x3FD9]  }
0x89: {  	s3 =	sld [smem:$0x3FFE];
	_ =	sdelay $0x1  }
0x8a: {  	s1 =	srdreg.scid  }
0x8b: {  	s0 =	sand.u32 $0x1, s1  }
0x8c: {  	s17 =	sshll.u32 s0, $0xA;
	s2 =	sadd.s32 s3, s2  }
0x8d: {  	s2 =	sadd.s32 s2, s17  }
0x8e: {  	[smem:$0x3FC6] =	sst s2  }
0x8f: {  	_ = 	snop  }
0x90: {  	s2 =	sld [smem:$0x3FC8];
	(tm) =	ssettm $0x1  }
0x91: {  	s18 =	sld [smem:$0x3FFB];
	_ =	sdelay $0x3  }
0x92: {  	_ =	strace s18  }
0x93: {  	s3 =	sld [smem:$0x3FFC];
	_ =	sdelay $0x3  }
0x94: {  	_ =	strace s3  }
0x95: {  	s3 =	sld [smem:$0x3FFD];
	_ =	sdelay $0x3  }
0x96: {  	_ =	strace s3  }
0x97: {  	_ =	strace $0x8FFFFFFF  }
0x98: {  	s19 =	sld [smem:$0x3FDB];
	_ =	sdelay $0x1  }
0x99: {  	s4 =	simm.s32 $_scs_section_size  }
0x9a: {  	s5 =	simm.s32 $_size__tile_overlayer_lowered;
	s6 =	simm.s32 $_tile_overlayer_lowered  }
0x9b: {  	s22 =	simm.s32 $0x1BFF;
	s21 =	sshll.u32 s6, $0x1;
	s3 =	sadd.s32 s4, s19  }
0x9c: {  	s7 =	simm.s32 $0x0;
	s20 =	sshll.u32 s5, $0x1;
	s5 =	sadd.s32 s21, s3  }
0x9d: {  	[timem:s7], [sflag:s22] =	dma.local [hbm:s5], s20  }
0x9e: {  	_ =	swait.ge [sflag:s22], s20  }
0x9f: {  	s4 =	ssub.s32 $0x0, s20;
	[sflag:s22] =	ssyncset.done $0x0  }
0xa0: {  	[sflag:s22] =	ssyncadd.s32 s4;
	_ =	sdelay $0x1  }
0xa1: {  	s23 =	simm.s32 $0x1B8B  }
0xa2: {  	_ =	swait.ge [sflag:s23], $0x1  }
0xa3: {  	[sflag:s23] =	ssyncset.done $0x0  }
0xa4: {  	s25 =	simm.s32 $0x1B8E;
	s24 =	sld [smem:$0x3FFE];
	[sflag:s23] =	ssyncadd.s32 $0xFFFFFFFF  }
0xa5: {  	s26 =	simm.s32 $execute0_lowered;
	[smem:$0x3FD2] =	sst s25  }
0xa6: {  	s5 =	sshll.u32 s26, $0x1;
	_ =	strace $0x80000046;
	[dreg:$0x1] =	wrdreg $0xFFFFFFFF  }
0xa7: {  	s28 =	simm.s32 $_size_execute0_lowered;
	s3 =	sadd.s32 s3, s5;
	[dreg:$0x0] =	wrdreg $0x0  }
0xa8: {  	s5 =	sshll.u32 s28, $0x1;
	[dreg:$0x2] =	wrdreg s3  }
0xa9: {  	[dreg:$0x3] =	wrdreg s5  }
0xaa: {  	[dreg:$0x4] =	wrdreg $0xC0  }
0xab: {  	_ =	task [dreg:s7], $0x5FFFF  }
0xac: {  	[dreg:$0x1] =	wrdreg $0xFFFFFFFF  }
0xad: {  	[dreg:$0x0] =	wrdreg $0x60  }
0xae: {  	[dreg:$0x2] =	wrdreg s2  }
0xaf: {  	[dreg:$0x3] =	wrdreg s24  }
0xb0: {  	[dreg:$0x4] =	wrdreg $0x9  }
0xb1: {  	_ =	task.clear_ibuf [dreg:s7], $0x5FFFF;
	_ =	strace $0x90000046  }
0xb2: {  	s29 =	simm.s32 $0x9;
	_ =	strace $0x80000048  }
0xb3: {  	_ =	swait.ge [sflag:s29], $0x1  }
0xb4: {  	[sflag:s29] =	ssyncadd.s32 $0xFFFFFFFF  }
0xb5: {  	_ =	strace $0x90000048  }
0xb6: {  	_ =	sfence  }
0xb7: {  	s30 =	sld [smem:$0x0];
	_ =	sdelay $0x2  }
0xb8: {  	s31 =	sshll.u32 s1, $0xD;
	s1 =	sshrl.u32 s1, $0x2  }
0xb9: {  	s3 =	sand.u32 $0x4000, s31;
	s1 =	sadd.s32 s1, s30  }
0xba: {  	s0 =	sor.u32 s3, s0;
	s1 =	sshll.u32 s1, $0x11  }
0xbb: {  	s0 =	sor.u32 s1, s0  }
0xbc: {  	s0 =	sadd.s32 $0x8F2B, s0  }
0xbd: {  	[sflag:s0] =	ssyncadd.remote.s32 $0x1  }
0xbe: {  	_ =	sfence.sel $0xFFFF  }
0xbf: {  	[dreg:$0x0] =	wrdreg $0xFFFFFFFF;
	(pc) =	sbr.abs _section_cstart, $3  }
0xc0: {  	[dreg:$0x1] =	wrdreg $0xFFFFFFFF  }
0xc1: {  	_ =	task.clear_ibuf [dreg:s7], $0x2FFFF;
	_ =	strace $0x9FFFFFFF  }
0xc2: {  	(tm) =	ssettm $0x7FFFFFFF  }
0xc3: {  	_ =	shalt  }
tec
execute0_lowered:
.L_overlay_start_1:
0x0: {  	(tag) =	ssettag $0x1  }
0x1: {  	s2 =	rddreg [dreg:$0x0];
	s1 =	srdreg.scid  }
0x2: {  	s0 =	stileid.u32;
	s5 =	rddreg [dreg:$0x1];
	s10 =	simm.s32 $0x80  }
0x3: {  	s11 =	simm.s32 $0x880;
	s12 =	simm.s32 $0x1;
	s13 =	simm.s32 $0x1080  }
0x4: {  	s14 =	simm.s32 $0x400;
	s15 =	simm.s32 $0x1280;
	s16 =	simm.s32 $0x0  }
0x5: {  	s4 =	sand.u32 $0x1, s1;
	s3 =	sshll.u32 s0, $0x1;
	s1 =	rddreg [dreg:$0x2]  }
0x6: {  	s7 =	sshrl.u32 s0, $0x2;
	s6 =	sor.u32 s4, s3;
	s3 =	simm.s32 $0x0  }
0x7: {  	s7 =	smul.u32 $0xC00, s7;
	s31 =	ssub.s32 $0x2, s4;
	s8 =	sshll.u32 s6, $0x7  }
0x8: {  	s4 =	sadd.s32 $0x1000, s5;
	[smem:$0x7FF] =	sst s3;
	s8 =	sand.u32 $0x380, s8  }
0x9: {  	s6 =	sadd.s32 s6, s5;
	s9 =	sshrl.u32 s31, $0x1;
	s7 =	sor.u32 s7, s8  }
0xa: {  	v0 =	vlaneseq.u32;
	vm0 =	vmmov $0xffff;
	v2 =	vimm.s32 $0x0;
	_ =	strace $0x80000047;
	s8 =	ssub.s32 s31, s9;
	s7 =	sshrl.u32 s7, $0x3  }
0xb: {  	v1 =	vshrl.u32 v0, $0x3;
	v2 =	vsel vm0, $0xFFFFFFFF, v2;
	s9 =	simm.s32 $0x2;
	s8 =	smax.u32 s8, $0x1;
	s7 =	sadd.s32 s7, s5  }
0xc: {  	v0 =	vand.u32 $0x7, v0;
	v1 =	vmul.u32 $0x8, v1;
	[tilespmem:$0x1FFF0] =	vst v2;
	s5 =	sadd.s32 $0x1200, s6;
	s6 =	sadd.s32 $0x100, s2;
	s7 =	sadd.s32 $0x1400, s7  }
.LBB2_1:
0xd: {  	[tilespmem:s3], [sflag:$0x2] =	stream.linear.gather [hbm4b:s5+s3], $0x8, $0x38;
	[tilespmem:$0x1400] =	vst v63  }
0xe: {  	_ =	swait.ge [sflag:s9], $0x8  }
0xf: {  	[sflag:s9] =	ssyncset.done $0x0  }
0x10: {  	[sflag:s9] =	ssyncadd.s32 $0xFFFFFFF8  }
0x11: {  	v2 =	vld.msk [tilespmem:$0x0], $0xff;
	_ =	sdelay $0x4  }
0x12: {  	v3 =	vshll.u32 v2, $0x2  }
0x13: {  	v2 =	vand.u32 $0x7, v2;
	v3 =	vand.u32 $0xFFFFFFE0, v3  }
0x14: {  	v2 =	vor.u32 v2, v3  }
0x15: {  	v2 =	vperm.xlane v2, v0  }
0x16: {  	v3 =	vld [tilespmem:$0x1FFF0]  }
0x17: {  	v2 =	vadd.s32 v1, v2;
	_ =	sdelay $0x3  }
0x18: {  	vm0 =	vnez.u8 v3  }
0x19: {  	[tilespmem:s10], [sflag:$0x1] =	stream.indirect_vreg.gather [hbm4b:s2+s3], $0x80, v2, vm0, $0xb8;
	[tilespmem:$0x1400] =	vst v63  }
0x1a: {  	_ = 	snop  }
0x1b: {  	[tilespmem:s11], [sflag:$0x1] =	stream.indirect_vreg.gather [hbm4b:s6+s3], $0x80, v2, vm0, $0xb8;
	[tilespmem:$0x1400] =	vst v63  }
0x1c: {  	s17 =	simm.s32 $0x0;
	_ =	swait.ge [sflag:s12], $0x1000  }
0x1d: {  	s18 =	sand.u32 $0x380, s3;
	s17 =	sand.u32 $0x1, s17;
	[sflag:s12] =	ssyncset.done $0x0  }
0x1e: {  	s20 =	sand.u32 $0x70, s3;
	s19 =	sshll.u32 s17, $0xA;
	[sflag:s12] =	ssyncadd.s32 $0xFFFFF000  }
0x1f: {  	[tilespmem:s13], [sflag:$0x2] =	stream.linear.gather [hbm4b:s4+s3], $0x200, $0x38;
	[tilespmem:$0x1400] =	vst v63  }
0x20: {  	s21 =	sshll.u32 s17, $0x7;
	s17 =	sor.u32 $0x2, s17;
	_ =	swait.ge [sflag:s9], $0x200  }
0x21: {  	s19 =	sor.u32 s18, s19;
	s31 =	sshll.u32 s17, $0xA;
	[sflag:s9] =	ssyncset.done $0x0  }
0x22: {  	s19 =	sor.u32 s20, s19;
	s18 =	sor.u32 s18, s31;
	[sflag:s9] =	ssyncadd.s32 $0xFFFFFE00  }
0x23: {  	v31 =	vimm.s32 $0x0;
	v28 =	vimm.s32 $0x0;
	v26 =	vimm.s32 $0x0;
	s18 =	sor.u32 s20, s18;
	v3 =	vld [tilespmem:s19+$0x80]  }
0x24: {  	v25 =	vimm.s32 $0x0;
	v24 =	vimm.s32 $0x0;
	v23 =	vimm.s32 $0x0;
	s30 =	sor.u32 s20, s21;
	v5 =	vld [tilespmem:s18+$0x80]  }
0x25: {  	v21 =	vimm.s32 $0x0;
	v18 =	vimm.s32 $0x0;
	v15 =	vimm.s32 $0x0;
	s17 =	sshll.u32 s17, $0x7;
	v4 =	vld [tilespmem:s30+$0x1080]  }
0x26: {  	v13 =	vimm.s32 $0x0;
	v12 =	vimm.s32 $0x0;
	v11 =	vimm.s32 $0x0;
	s17 =	sor.u32 s20, s17  }
0x27: {  	v9 =	vimm.s32 $0x0;
	v6 =	vimm.s32 $0x0;
	v7 =	vimm.s32 $0x0;
	v38 =	vld [tilespmem:s17+$0x1080]  }
0x28: {  	v2 =	vimm.s32 $0x0;
	vm1 =	veq.s32 v3, $0x1;
	vm2 =	veq.s32 v3, $0x2  }
0x29: {  	vm3 =	veq.s32 v3, $0x3;
	vm4 =	veq.s32 v5, $0xF;
	vm0 =	veq.s32 v5, $0x12  }
0x2a: {  	v35 =	vnsel vm1, $0x0, v4;
	vm1 =	veq.s32 v3, $0x4;
	v36 =	vnsel vm2, $0x0, v4  }
0x2b: {  	vm2 =	veq.s32 v3, $0x5;
	v37 =	vnsel vm3, $0x0, v4;
	vm3 =	veq.s32 v3, $0x6  }
0x2c: {  	v39 =	vnsel vm4, $0x0, v38;
	v32 =	vnsel vm1, $0x0, v4;
	vm1 =	veq.s32 v3, $0x7  }
0x2d: {  	v33 =	vnsel vm2, $0x0, v4;
	vm2 =	veq.s32 v3, $0x8;
	v34 =	vnsel vm3, $0x0, v4  }
0x2e: {  	vm3 =	veq.s32 v3, $0x9;
	v27 =	vnsel vm1, $0x0, v4;
	vm1 =	veq.s32 v3, $0xA  }
0x2f: {  	v29 =	vnsel vm2, $0x0, v4;
	vm2 =	veq.s32 v3, $0xB;
	v30 =	vnsel vm3, $0x0, v4  }
0x30: {  	vm3 =	veq.s32 v3, $0xC;
	v19 =	vnsel vm1, $0x0, v4;
	vm1 =	veq.s32 v3, $0xD  }
0x31: {  	v22 =	vnsel vm2, $0x0, v4;
	vm2 =	veq.s32 v3, $0xE;
	v20 =	vnsel vm3, $0x0, v4  }
0x32: {  	vm3 =	veq.s32 v3, $0xF;
	v16 =	vnsel vm1, $0x0, v4;
	vm1 =	veq.s32 v3, $0x10  }
0x33: {  	v17 =	vnsel vm2, $0x0, v4;
	vm2 =	veq.s32 v3, $0x11;
	v14 =	vnsel vm3, $0x0, v4  }
0x34: {  	vm3 =	veq.s32 v3, $0x12;
	v3 =	vimm.s32 $0x0;
	v10 =	vnsel vm1, $0x0, v4  }
0x35: {  	v8 =	vnsel vm2, $0x0, v4;
	v4 =	vnsel vm3, $0x0, v4;
	vm1 =	veq.s32 v5, $0x1  }
0x36: {  	vm2 =	veq.s32 v5, $0x2;
	vm3 =	veq.s32 v5, $0x3;
	v51 =	vnsel vm1, $0x0, v38  }
0x37: {  	vm1 =	veq.s32 v5, $0x4;
	v52 =	vnsel vm2, $0x0, v38;
	vm2 =	veq.s32 v5, $0x5  }
0x38: {  	v53 =	vnsel vm3, $0x0, v38;
	vm3 =	veq.s32 v5, $0x6;
	v50 =	vnsel vm1, $0x0, v38  }
0x39: {  	vm1 =	veq.s32 v5, $0x7;
	v48 =	vnsel vm2, $0x0, v38;
	vm2 =	veq.s32 v5, $0x8  }
0x3a: {  	v49 =	vnsel vm3, $0x0, v38;
	vm3 =	veq.s32 v5, $0x9;
	v47 =	vnsel vm1, $0x0, v38  }
0x3b: {  	vm1 =	veq.s32 v5, $0xA;
	v45 =	vnsel vm2, $0x0, v38;
	vm2 =	veq.s32 v5, $0xB  }
0x3c: {  	v46 =	vnsel vm3, $0x0, v38;
	vm3 =	veq.s32 v5, $0xC;
	v44 =	vnsel vm1, $0x0, v38  }
0x3d: {  	vm1 =	veq.s32 v5, $0xD;
	v42 =	vnsel vm2, $0x0, v38;
	vm2 =	veq.s32 v5, $0xE  }
0x3e: {  	v43 =	vnsel vm3, $0x0, v38;
	vm3 =	veq.s32 v5, $0x10;
	v41 =	vnsel vm1, $0x0, v38  }
0x3f: {  	s17 =	simm.s32 $0x1;
	s18 =	simm.s32 $0x0;
	s19 =	simm.s32 $0x0;
	v40 =	vnsel vm2, $0x0, v38;
	vm1 =	veq.s32 v5, $0x11;
	v5 =	vimm.s32 $0x0  }
.LBB2_2:
0x40: {  	v54 =	vnsel vm3, $0x0, v38;
	v55 =	vnsel vm1, $0x0, v38;
	v56 =	vnsel vm0, $0x0, v38  }
0x41: {  	v2 =	vadd.s32 v2, v35;
	v31 =	vadd.s32 v31, v36;
	v28 =	vadd.s32 v28, v37  }
0x42: {  	v26 =	vadd.s32 v26, v32;
	v25 =	vadd.s32 v25, v33;
	v24 =	vadd.s32 v24, v34  }
0x43: {  	v23 =	vadd.s32 v23, v27;
	v21 =	vadd.s32 v21, v29;
	v18 =	vadd.s32 v18, v30  }
0x44: {  	s20 =	sshrl.u32 s17, $0x3;
	v15 =	vadd.s32 v15, v19;
	v13 =	vadd.s32 v13, v22;
	v12 =	vadd.s32 v12, v20  }
0x45: {  	s18 =	sadd.s32 $0x8, s18;
	v11 =	vadd.s32 v11, v16;
	v9 =	vadd.s32 v9, v17;
	v6 =	vadd.s32 v6, v14;
	s22 =	sand.u32 $0x1, s20  }
0x46: {  	s19 =	sadd.s32 $0x10, s19;
	v7 =	vadd.s32 v7, v10;
	v5 =	vadd.s32 v5, v8;
	v3 =	vadd.s32 v3, v4;
	s21 =	sand.u32 $0x380, s18;
	s23 =	sshll.u32 s22, $0xA  }
0x47: {  	v8 =	vimm.s32 $0x0;
	v58 =	vimm.s32 $0x0;
	v59 =	vimm.s32 $0x0;
	s28 =	sand.u32 $0x70, s19;
	s23 =	sor.u32 s21, s23  }
0x48: {  	v60 =	vimm.s32 $0x0;
	v2 =	vadd.s32 v51, v2;
	v31 =	vadd.s32 v52, v31;
	s23 =	sor.u32 s28, s23  }
0x49: {  	v28 =	vadd.s32 v53, v28;
	v26 =	vadd.s32 v50, v26;
	v25 =	vadd.s32 v48, v25;
	v19 =	vld [tilespmem:s23+$0x80]  }
0x4a: {  	v24 =	vadd.s32 v49, v24;
	v23 =	vadd.s32 v47, v23;
	v21 =	vadd.s32 v45, v21  }
0x4b: {  	v18 =	vadd.s32 v46, v18;
	v15 =	vadd.s32 v44, v15;
	v13 =	vadd.s32 v42, v13  }
0x4c: {  	v12 =	vadd.s32 v43, v12;
	v11 =	vadd.s32 v41, v11;
	v9 =	vadd.s32 v40, v9  }
0x4d: {  	v6 =	vadd.s32 v39, v6;
	v7 =	vadd.s32 v54, v7;
	v5 =	vadd.s32 v55, v5;
	s29 =	sshll.u32 s22, $0x7  }
0x4e: {  	v3 =	vadd.s32 v56, v3;
	s22 =	sor.u32 $0x2, s22;
	s23 =	sor.u32 s28, s29;
	vm7 =	veq.s32 v19, $0x1;
	vm8 =	veq.s32 v19, $0x2  }
0x4f: {  	s30 =	sshll.u32 s22, $0xA;
	v4 =	vld [tilespmem:s23+$0x1080];
	vm3 =	veq.s32 v19, $0x3;
	vm4 =	veq.s32 v19, $0x4;
	vm5 =	veq.s32 v19, $0x5  }
0x50: {  	s21 =	sor.u32 s21, s30;
	vm6 =	veq.s32 v19, $0x6;
	vm0 =	veq.s32 v19, $0x7;
	vm9 =	veq.s32 v19, $0x9  }
0x51: {  	s21 =	sor.u32 s28, s21;
	vm10 =	veq.s32 v19, $0xA;
	vm11 =	veq.s32 v19, $0xB;
	vm12 =	veq.s32 v19, $0xC  }
0x52: {  	v57 =	vld [tilespmem:s21+$0x80];
	vm13 =	veq.s32 v19, $0xD;
	vm14 =	veq.s32 v19, $0xE;
	vm15 =	veq.s32 v19, $0xF  }
0x53: {  	vm1 =	veq.s32 v19, $0x11;
	vm2 =	veq.s32 v19, $0x12;
	v8 =	vsel vm0, $0xFFFFFFFF, v8  }
0x54: {  	vm0 =	veq.s32 v19, $0x8;
	v35 =	vnsel vm7, $0x0, v4;
	v36 =	vnsel vm8, $0x0, v4  }
0x55: {  	v37 =	vnsel vm3, $0x0, v4;
	v32 =	vnsel vm4, $0x0, v4;
	[tilespmem:$0x1FFA0] =	vst v8;
	v8 =	vimm.s32 $0x0  }
0x56: {  	v33 =	vnsel vm5, $0x0, v4;
	v8 =	vsel vm0, $0xFFFFFFFF, v8;
	vm0 =	veq.s32 v19, $0x10  }
0x57: {  	v34 =	vnsel vm6, $0x0, v4;
	v10 =	vnsel vm0, $0x0, v4;
	vm0 =	veq.s32 v57, $0x1  }
0x58: {  	v30 =	vnsel vm9, $0x0, v4;
	[tilespmem:$0x1FFB0] =	vst v8;
	v38 =	vsel vm0, $0xFFFFFFFF, v58;
	vm0 =	veq.s32 v57, $0x2  }
0x59: {  	s31 =	sshll.u32 s22, $0x7;
	v22 =	vnsel vm11, $0x0, v4;
	v8 =	vld [tilespmem:$0x1FFA0];
	[tilespmem:$0x1FFC0] =	vst v38;
	v38 =	vsel vm0, $0xFFFFFFFF, v59;
	vm0 =	veq.s32 v57, $0x3  }
0x5a: {  	s20 =	sor.u32 s28, s31;
	v20 =	vnsel vm12, $0x0, v4;
	v16 =	vnsel vm13, $0x0, v4;
	[tilespmem:$0x1FFD0] =	vst v38;
	v38 =	vsel vm0, $0xFFFFFFFF, v60;
	v61 =	vld [tilespmem:$0x1FFC0]  }
0x5b: {  	v17 =	vnsel vm14, $0x0, v4;
	v14 =	vnsel vm15, $0x0, v4;
	vm6 =	veq.s32 v57, $0x4;
	[tilespmem:$0x1FFE0] =	vst v38;
	v38 =	vld [tilespmem:s20+$0x1080]  }
0x5c: {  	vm7 =	veq.s32 v57, $0x5;
	vm8 =	veq.s32 v57, $0x6;
	vm9 =	veq.s32 v57, $0x7;
	v62 =	vld [tilespmem:$0x1FFD0]  }
0x5d: {  	vm11 =	veq.s32 v57, $0x9;
	vm12 =	veq.s32 v57, $0xA;
	vm13 =	veq.s32 v57, $0xB  }
0x5e: {  	vm14 =	veq.s32 v57, $0xC;
	vm15 =	veq.s32 v57, $0xD;
	vm4 =	veq.s32 v57, $0xE  }
0x5f: {  	v19 =	vnsel vm10, $0x0, v4;
	vm10 =	veq.s32 v57, $0x8;
	vm3 =	vnez.u8 v8  }
0x60: {  	vm0 =	veq.s32 v57, $0x12;
	v8 =	vld [tilespmem:$0x1FFB0];
	v27 =	vnsel vm3, $0x0, v4;
	vm5 =	vnez.u8 v61  }
0x61: {  	v63 =	vld [tilespmem:$0x1FFE0];
	v51 =	vnsel vm5, $0x0, v38;
	vm5 =	vnez.u8 v62;
	v50 =	vnsel vm6, $0x0, v38  }
0x62: {  	v48 =	vnsel vm7, $0x0, v38;
	v49 =	vnsel vm8, $0x0, v38;
	v47 =	vnsel vm9, $0x0, v38  }
0x63: {  	p0 =	sne.s32 s17, $0x7F;
	v45 =	vnsel vm10, $0x0, v38;
	v46 =	vnsel vm11, $0x0, v38;
	v44 =	vnsel vm12, $0x0, v38  }
.Ltmp0:
0x64: {  	v42 =	vnsel vm13, $0x0, v38;
	v43 =	vnsel vm14, $0x0, v38;
	v41 =	vnsel vm15, $0x0, v38;
	(pc) =	sbr.rel @p0 .LBB2_2-.Ltmp0, $4  }
0x65: {  	v40 =	vnsel vm4, $0x0, v38;
	vm3 =	vnez.u8 v8;
	v8 =	vnsel vm1, $0x0, v4  }
0x66: {  	vm1 =	veq.s32 v57, $0x11;
	v52 =	vnsel vm5, $0x0, v38;
	vm5 =	vnez.u8 v63  }
0x67: {  	v29 =	vnsel vm3, $0x0, v4;
	v4 =	vnsel vm2, $0x0, v4;
	vm2 =	veq.s32 v57, $0xF  }
0x68: {  	s17 =	sadd.s32 $0x1, s17;
	vm3 =	veq.s32 v57, $0x10;
	v53 =	vnsel vm5, $0x0, v38;
	v39 =	vnsel vm2, $0x0, v38  }
0x69: {  	v2 =	vadd.s32 v2, v35  }
0x6a: {  	v31 =	vadd.s32 v31, v36;
	v2 =	vadd.s32 v51, v2  }
0x6b: {  	v26 =	vadd.s32 v26, v32;
	v31 =	vadd.s32 v52, v31;
	[tilespmem:$0x1280] =	vst v2  }
0x6c: {  	v25 =	vadd.s32 v25, v33;
	v26 =	vadd.s32 v50, v26;
	[tilespmem:$0x1290] =	vst v31  }
0x6d: {  	v23 =	vadd.s32 v23, v27;
	v57 =	vadd.s32 v48, v25;
	[tilespmem:$0x12B0] =	vst v26  }
0x6e: {  	v21 =	vadd.s32 v21, v29;
	v23 =	vadd.s32 v47, v23;
	[tilespmem:$0x12C0] =	vst v57  }
0x6f: {  	v15 =	vadd.s32 v15, v19;
	v58 =	vadd.s32 v45, v21;
	[tilespmem:$0x12E0] =	vst v23  }
0x70: {  	v28 =	vadd.s32 v28, v37;
	v15 =	vadd.s32 v44, v15;
	[tilespmem:$0x12F0] =	vst v58  }
0x71: {  	v13 =	vadd.s32 v13, v22;
	v2 =	vadd.s32 v53, v28;
	[tilespmem:$0x1310] =	vst v15  }
0x72: {  	v59 =	vadd.s32 v42, v13;
	[tilespmem:$0x12A0] =	vst v2;
	v2 =	vadd.s32 v24, v34  }
0x73: {  	v11 =	vadd.s32 v11, v16;
	[tilespmem:$0x1320] =	vst v59;
	v2 =	vadd.s32 v49, v2  }
0x74: {  	v11 =	vadd.s32 v41, v11;
	[tilespmem:$0x12D0] =	vst v2;
	v2 =	vadd.s32 v18, v30  }
0x75: {  	v9 =	vadd.s32 v9, v17;
	[tilespmem:$0x1340] =	vst v11;
	v2 =	vadd.s32 v46, v2  }
0x76: {  	v60 =	vadd.s32 v40, v9;
	[tilespmem:$0x1300] =	vst v2;
	v2 =	vadd.s32 v12, v20  }
0x77: {  	v61 =	vnsel vm3, $0x0, v38;
	v7 =	vadd.s32 v7, v10;
	[tilespmem:$0x1350] =	vst v60;
	v2 =	vadd.s32 v43, v2  }
0x78: {  	v7 =	vadd.s32 v61, v7;
	[tilespmem:$0x1330] =	vst v2;
	v2 =	vadd.s32 v6, v14  }
0x79: {  	v62 =	vnsel vm1, $0x0, v38;
	v5 =	vadd.s32 v5, v8;
	[tilespmem:$0x1370] =	vst v7;
	v2 =	vadd.s32 v39, v2  }
0x7a: {  	v3 =	vadd.s32 v3, v4;
	s16 =	sadd.s32 $0x1, s16;
	v63 =	vadd.s32 v62, v5;
	[tilespmem:$0x1360] =	vst v2;
	v2 =	vnsel vm0, $0x0, v38  }
0x7b: {  	p0 =	sne.s32 s16, s8;
	[tilespmem:$0x1380] =	vst v63;
	v2 =	vadd.s32 v2, v3  }
.Ltmp1:
0x7c: {  	[tilespmem:$0x1390] =	vst v2;
	(pc) =	sbr.rel @p0 .LBB2_1-.Ltmp1, $4  }
0x7d: {  	[hbm4b:s7+s10] =	stream.strided.scatter [tilespmem:s15], [sflag:$0x2], $0x180, s14, s10, $0x38;
	[tilespmem:$0x1400] =	vst v63  }
0x7e: {  	_ =	swait.ge [sflag:s9], $0x180  }
0x7f: {  	[sflag:s9] =	ssyncset.done $0x0  }
0x80: {  	[sflag:s9] =	ssyncadd.s32 $0xFFFFFE80  }
0x81: {  	_ =	sfence.sel $0x180000  }
0x82: {  	[bflag:$0x0] =	sbarrier.arrive $0xFFFF  }
0x83: {  	p0 =	sne.s32 s0, $0x0;
	_ =	strace $0x90000047  }
0x84: {  	s0 =	sadd.s32 @!p0 $0x100000, s1;
	[bflag:$0x2] =	sbarrier.arrive $0xFFFF  }
0x85: {  	[sflag:s0] =	ssyncadd.tile.s32 @!p0 $0x1;
	_ =	shalt  }
.Lfunc_end2:
_tile_overlayer_lowered:
.L_overlay_start_2:
0x86: {  	(tag) =	ssettag $0x2  }
0x87: {  	s0 =	rddreg [dreg:$0x0];
	s2 =	stileid.u32  }
0x88: {  	s1 =	rddreg [dreg:$0x1];
	p0 =	sne.s32 s2, $0x0  }
0x89: {  	s3 =	rddreg [dreg:$0x2];
	[bflag:$0x3] =	sbarrier.arrive $0xFFFF;
	s2 =	simm.s32 @!p0 $0x1C02  }
0x8a: {  	[timem:s3], [sflag:s2] =	dma.local @!p0 [hbm:s0], s1  }
0x8b: {  	s0 =	simm.s32 @!p0 $0x2  }
0x8c: {  	_ =	swait.ge @!p0 [sflag:s0], s1  }
0x8d: {  	s1 =	ssub.s32 @!p0 $0x0, s1;
	[sflag:s0] =	ssyncset.done @!p0 $0x0  }
0x8e: {  	[sflag:s0] =	ssyncadd.s32 @!p0 s1  }
0x8f: {  	[bflag:$0x3] =	sbarrier.arrive $0xFFFF  }
0x90: {  	_ =	shalt  }

</sc_bundles>
